<compile_context>
chip_gen: v7x
topology: tpu7x:2x2x1
jax: 0.10.2.dev20260603
libtpu: 0.0.44.dev20260713+nightly
codegen_flags: <defaults>
</compile_context>

<pallas_src>
import functools

import jax
import jax.numpy as jnp
from jax import lax
from jax.experimental import pallas as pl
from jax.experimental.pallas import tpu as pltpu
from jax.experimental.pallas import tpu_sc as plsc

_R, _C = 4096, 4096
_S = 512
_NW = 32
_ROWS_W = _S // _NW
_CHROWS = 4
_NCH = _ROWS_W // _CHROWS
_NBUF = 3
_UNROLL = 8
_TCBLK = 512

_mesh = plsc.VectorSubcoreMesh(core_axis_name="c", subcore_axis_name="s")


@functools.partial(
    pl.kernel,
    mesh=_mesh,
    out_type=jax.ShapeDtypeStruct((_S, _C), jnp.float32),
    scratch_types=[pltpu.VMEM((_CHROWS, _C), jnp.float32)] * _NBUF
    + [
        pltpu.VMEM((16,), jnp.float32),
        pltpu.SemaphoreType.DMA,
        pltpu.SemaphoreType.DMA,
    ],
)
def _sc_scale(w_hbm, m_hbm, out_hbm, *rest):
    bufs = rest[:_NBUF]
    mvec, sem_in, sem_out = rest[_NBUF:]
    wid = lax.axis_index("s") * 2 + lax.axis_index("c")
    base = wid * _ROWS_W

    pltpu.sync_copy(m_hbm, mvec)
    mv = mvec[...]

    def compute(buf):
        for r in range(_CHROWS):
            @plsc.parallel_loop(0, _C, 16, unroll=_UNROLL)
            def _(c):
                sl = pl.ds(c, 16)
                buf[r, sl] = buf[r, sl] * mv

    def start_in(i):
        return pltpu.async_copy(
            w_hbm.at[pl.ds(base + i * _CHROWS, _CHROWS)], bufs[i % _NBUF], sem_in)

    def start_out(i):
        return pltpu.async_copy(
            bufs[i % _NBUF], out_hbm.at[pl.ds(base + i * _CHROWS, _CHROWS)], sem_out)

    out_cp = [None] * _NCH
    in_cp = [None] * _NCH
    out_waited = [False] * _NCH
    for j in range(_NBUF - 1):
        in_cp[j] = start_in(j)
    for i in range(_NCH):
        nxt = i + _NBUF - 1
        if nxt < _NCH:
            if nxt >= _NBUF:
                out_cp[nxt - _NBUF].wait()
                out_waited[nxt - _NBUF] = True
            in_cp[nxt] = start_in(nxt)
        in_cp[i].wait()
        compute(bufs[i % _NBUF])
        out_cp[i] = start_out(i)
    for i in range(_NCH):
        if not out_waited[i]:
            out_cp[i].wait()


def _tc_body(m_ref, w_ref, o_ref):
    o_ref[...] = w_ref[...] * m_ref[0]


def _tc_scale(weight, m1):
    nblk = (_R - _S) // _TCBLK
    return pl.pallas_call(
        _tc_body,
        grid=(nblk,),
        in_specs=[
            pl.BlockSpec(memory_space=pltpu.SMEM),
            pl.BlockSpec((_TCBLK, _C), lambda i: (i + _S // _TCBLK, 0)),
        ],
        out_specs=pl.BlockSpec((_TCBLK, _C), lambda i: (i + _S // _TCBLK, 0)),
        out_shape=jax.ShapeDtypeStruct((_R, _C), jnp.float32),
    )(m1, weight)


def kernel(weight, mask):
    m1 = jnp.reshape(mask.astype(jnp.float32), (1,))
    m16 = jnp.broadcast_to(m1, (16,))
    full = _tc_scale(weight, m1)
    top = _sc_scale(weight, m16)
    return lax.dynamic_update_slice(full, top, (0, 0))

# --- scband reference (transcript-rebuilt; emitter-appended) ---
"""Pipeline reference for scband-wanda-75625784148351 (READ-ONLY COPY).

The authoritative reference and input builder live on the scoring server;
editing this copy changes nothing except your own understanding.
"""

import jax, jax.numpy as jnp
import numpy as np


def setup_inputs(seed: int = 0) -> dict:
    key = jax.random.key(seed)
    k1, _ = jax.random.split(key)
    weight = jax.random.normal(k1, (4096, 4096), dtype=jnp.float32)
    # self.mask is initialized as torch.tensor(1.0); the forward path (without
    # any collect_input/pruning steps having run) multiplies by this scalar mask.
    mask = jnp.ones((), dtype=jnp.float32)
    return {"weight": weight, "mask": mask}


def reference(weight, mask):
    # Wanda.forward: self.weight.data = weight; return self.mask * weight
    return mask * weight

if __name__ == "__main__":
    import jax
    _d = setup_inputs()
    print(jax.jit(kernel)(*tuple(_d.values())))

</pallas_src>

<mosaic_0001>
#map = affine_map<(d0, d1) -> (0, 0)>
#map1 = affine_map<(d0, d1) -> (0)>
module attributes {stable_mosaic.version = 14 : i64} {
  func.func @_sc_scale(%arg0: i32, %arg1: i32, %arg2: memref<4096x4096xf32, #tpu.memory_space<hbm>>, %arg3: memref<16xf32, #tpu.memory_space<hbm>>, %arg4: memref<512x4096xf32, #tpu.memory_space<hbm>>, %arg5: memref<4x4096xf32, #tpu.memory_space<vmem>>, %arg6: memref<4x4096xf32, #tpu.memory_space<vmem>>, %arg7: memref<4x4096xf32, #tpu.memory_space<vmem>>, %arg8: memref<16xf32, #tpu.memory_space<vmem>>, %arg9: memref<!tpu.dma_semaphore, #tpu.memory_space<semaphore_mem>>, %arg10: memref<!tpu.dma_semaphore, #tpu.memory_space<semaphore_mem>>) attributes {dimension_semantics = [#tpu.dimension_semantics<core_parallel>, #tpu.dimension_semantics<subcore_parallel>], iteration_bounds = array<i64: 2, 16>, scalar_prefetch = 0 : i64, scratch_operands = 6 : i64, tpu.core_type = #tpu.core_type<sc_vector_subcore>, window_params = [{transform_indices = #map}, {transform_indices = #map1}, {transform_indices = #map}]} {
    %mul3A = arith.constant 2 : i32
    %mul3A_0 = arith.muli %arg1, %mul3A : i32
    %add3A = arith.addi %mul3A_0, %arg0 : i32
    %mul3A_1 = arith.constant 16 : i32
    %mul3A_2 = arith.muli %add3A, %mul3A_1 : i32
    "tpu.region"() ({
      %run_scoped3A = tpu.sem_alloc : memref<!tpu.dma_semaphore, #tpu.memory_space<semaphore_mem>>
      tpu.enqueue_dma source(%arg3 : memref<16xf32, #tpu.memory_space<hbm>>) target(%arg8 : memref<16xf32, #tpu.memory_space<vmem>>) target_semaphore(%run_scoped3A : memref<!tpu.dma_semaphore, #tpu.memory_space<semaphore_mem>>)
      tpu.wait_dma2 semaphore(%run_scoped3A : memref<!tpu.dma_semaphore, #tpu.memory_space<semaphore_mem>>) src(%arg3 : memref<16xf32, #tpu.memory_space<hbm>>) dst(%arg8 : memref<16xf32, #tpu.memory_space<vmem>>)
      tpu.yield
    }) : () -> ()
    %get3A = arith.constant 0 : index
    %get3A_3 = tpu.vector_load %arg8[%get3A] {strides = array<i32>} : memref<16xf32, #tpu.memory_space<vmem>>, vector<16xf32>,
    %get3A_4 = vector.shape_cast %get3A_3 : vector<16xf32> to vector<16xf32>
    %add3A_5 = arith.constant 0 : i32
    %add3A_6 = arith.addi %mul3A_2, %add3A_5 : i32
    %dma_start3A = arith.constant 0 : i32
    %dma_start3A_7 = tpu.memref_slice %arg2[%add3A_6, %dma_start3A] : memref<4096x4096xf32, #tpu.memory_space<hbm>> -> memref<4x4096xf32, #tpu.memory_space<hbm>>
    %dma_start3A_8 = arith.constant 0 : i32
    %dma_start3A_9 = tpu.memref_slice %arg2[%add3A_6, %dma_start3A_8] : memref<4096x4096xf32, #tpu.memory_space<hbm>> -> memref<4x4096xf32, #tpu.memory_space<hbm>>
    tpu.enqueue_dma source(%dma_start3A_9 : memref<4x4096xf32, #tpu.memory_space<hbm>>) target(%arg5 : memref<4x4096xf32, #tpu.memory_space<vmem>>) target_semaphore(%arg9 : memref<!tpu.dma_semaphore, #tpu.memory_space<semaphore_mem>>)
    %add3A_10 = arith.constant 4 : i32
    %add3A_11 = arith.addi %mul3A_2, %add3A_10 : i32
    %dma_start3A_12 = arith.constant 0 : i32
    %dma_start3A_13 = tpu.memref_slice %arg2[%add3A_11, %dma_start3A_12] : memref<4096x4096xf32, #tpu.memory_space<hbm>> -> memref<4x4096xf32, #tpu.memory_space<hbm>>
    %dma_start3A_14 = arith.constant 0 : i32
    %dma_start3A_15 = tpu.memref_slice %arg2[%add3A_11, %dma_start3A_14] : memref<4096x4096xf32, #tpu.memory_space<hbm>> -> memref<4x4096xf32, #tpu.memory_space<hbm>>
    tpu.enqueue_dma source(%dma_start3A_15 : memref<4x4096xf32, #tpu.memory_space<hbm>>) target(%arg6 : memref<4x4096xf32, #tpu.memory_space<vmem>>) target_semaphore(%arg9 : memref<!tpu.dma_semaphore, #tpu.memory_space<semaphore_mem>>)
    %add3A_16 = arith.constant 8 : i32
    %add3A_17 = arith.addi %mul3A_2, %add3A_16 : i32
    %dma_start3A_18 = arith.constant 0 : i32
    %dma_start3A_19 = tpu.memref_slice %arg2[%add3A_17, %dma_start3A_18] : memref<4096x4096xf32, #tpu.memory_space<hbm>> -> memref<4x4096xf32, #tpu.memory_space<hbm>>
    %dma_start3A_20 = arith.constant 0 : i32
    %dma_start3A_21 = tpu.memref_slice %arg2[%add3A_17, %dma_start3A_20] : memref<4096x4096xf32, #tpu.memory_space<hbm>> -> memref<4x4096xf32, #tpu.memory_space<hbm>>
    tpu.enqueue_dma source(%dma_start3A_21 : memref<4x4096xf32, #tpu.memory_space<hbm>>) target(%arg7 : memref<4x4096xf32, #tpu.memory_space<vmem>>) target_semaphore(%arg9 : memref<!tpu.dma_semaphore, #tpu.memory_space<semaphore_mem>>)
    %dma_wait3A = arith.constant 0 : i32
    %dma_wait3A_22 = tpu.memref_slice %arg2[%add3A_6, %dma_wait3A] : memref<4096x4096xf32, #tpu.memory_space<hbm>> -> memref<4x4096xf32, #tpu.memory_space<hbm>>
    %dma_wait3A_23 = arith.constant 0 : i32
    %dma_wait3A_24 = tpu.memref_slice %arg2[%add3A_6, %dma_wait3A_23] : memref<4096x4096xf32, #tpu.memory_space<hbm>> -> memref<4x4096xf32, #tpu.memory_space<hbm>>
    tpu.wait_dma2 semaphore(%arg9 : memref<!tpu.dma_semaphore, #tpu.memory_space<semaphore_mem>>) src(%dma_wait3A_24 : memref<4x4096xf32, #tpu.memory_space<hbm>>) dst(%arg5 : memref<4x4096xf32, #tpu.memory_space<vmem>>)
    %parallel_loop3A = arith.constant 0 : i32
    %parallel_loop3A_25 = arith.constant 4096 : i32
    %parallel_loop3A_26 = arith.constant 16 : i32
    scf.for %parallel_loop3A_130 = %parallel_loop3A to %parallel_loop3A_25 step %parallel_loop3A_26  : i32 {
      %parallel_loop3A_131 = arith.constant 0 : i32
      %parallel_loop3A_132 = arith.index_cast %parallel_loop3A_131 : i32 to index
      %parallel_loop3A_133 = arith.index_cast %parallel_loop3A_130 : i32 to index
      %parallel_loop3A_134 = tpu.vector_load %arg5[%parallel_loop3A_132, %parallel_loop3A_133] {strides = array<i32>} : memref<4x4096xf32, #tpu.memory_space<vmem>>, vector<1x16xf32>,
      %parallel_loop3A_135 = vector.shape_cast %parallel_loop3A_134 : vector<1x16xf32> to vector<16xf32>
      %parallel_loop3A_136 = arith.mulf %parallel_loop3A_135, %get3A_4 : vector<16xf32>
      %parallel_loop3A_137 = arith.constant 0 : i32
      %parallel_loop3A_138 = arith.index_cast %parallel_loop3A_137 : i32 to index
      %parallel_loop3A_139 = arith.index_cast %parallel_loop3A_130 : i32 to index
      %parallel_loop3A_140 = tpu.vector_load %arg5[%parallel_loop3A_138, %parallel_loop3A_139] {strides = array<i32>} : memref<4x4096xf32, #tpu.memory_space<vmem>>, vector<1x16xf32>,
      %parallel_loop3A_141 = vector.shape_cast %parallel_loop3A_140 : vector<1x16xf32> to vector<16xf32>
      %parallel_loop3A_142 = vector.shape_cast %parallel_loop3A_136 : vector<16xf32> to vector<1x16xf32>
      tpu.vector_store %arg5[%parallel_loop3A_138, %parallel_loop3A_139], %parallel_loop3A_142 {strides = array<i32>} : memref<4x4096xf32, #tpu.memory_space<vmem>>, vector<1x16xf32>,
    } {sc.loop_unroll_factor = 8 : i64, sc.parallel_access}
    %parallel_loop3A_27 = arith.constant 0 : i32
    %parallel_loop3A_28 = arith.constant 4096 : i32
    %parallel_loop3A_29 = arith.constant 16 : i32
    scf.for %parallel_loop3A_130 = %parallel_loop3A_27 to %parallel_loop3A_28 step %parallel_loop3A_29  : i32 {
      %parallel_loop3A_131 = arith.constant 1 : i32
      %parallel_loop3A_132 = arith.index_cast %parallel_loop3A_131 : i32 to index
      %parallel_loop3A_133 = arith.index_cast %parallel_loop3A_130 : i32 to index
      %parallel_loop3A_134 = tpu.vector_load %arg5[%parallel_loop3A_132, %parallel_loop3A_133] {strides = array<i32>} : memref<4x4096xf32, #tpu.memory_space<vmem>>, vector<1x16xf32>,
      %parallel_loop3A_135 = vector.shape_cast %parallel_loop3A_134 : vector<1x16xf32> to vector<16xf32>
      %parallel_loop3A_136 = arith.mulf %parallel_loop3A_135, %get3A_4 : vector<16xf32>
      %parallel_loop3A_137 = arith.constant 1 : i32
      %parallel_loop3A_138 = arith.index_cast %parallel_loop3A_137 : i32 to index
      %parallel_loop3A_139 = arith.index_cast %parallel_loop3A_130 : i32 to index
      %parallel_loop3A_140 = tpu.vector_load %arg5[%parallel_loop3A_138, %parallel_loop3A_139] {strides = array<i32>} : memref<4x4096xf32, #tpu.memory_space<vmem>>, vector<1x16xf32>,
      %parallel_loop3A_141 = vector.shape_cast %parallel_loop3A_140 : vector<1x16xf32> to vector<16xf32>
      %parallel_loop3A_142 = vector.shape_cast %parallel_loop3A_136 : vector<16xf32> to vector<1x16xf32>
      tpu.vector_store %arg5[%parallel_loop3A_138, %parallel_loop3A_139], %parallel_loop3A_142 {strides = array<i32>} : memref<4x4096xf32, #tpu.memory_space<vmem>>, vector<1x16xf32>,
    } {sc.loop_unroll_factor = 8 : i64, sc.parallel_access}
    %parallel_loop3A_30 = arith.constant 0 : i32
    %parallel_loop3A_31 = arith.constant 4096 : i32
    %parallel_loop3A_32 = arith.constant 16 : i32
    scf.for %parallel_loop3A_130 = %parallel_loop3A_30 to %parallel_loop3A_31 step %parallel_loop3A_32  : i32 {
      %parallel_loop3A_131 = arith.constant 2 : i32
      %parallel_loop3A_132 = arith.index_cast %parallel_loop3A_131 : i32 to index
      %parallel_loop3A_133 = arith.index_cast %parallel_loop3A_130 : i32 to index
      %parallel_loop3A_134 = tpu.vector_load %arg5[%parallel_loop3A_132, %parallel_loop3A_133] {strides = array<i32>} : memref<4x4096xf32, #tpu.memory_space<vmem>>, vector<1x16xf32>,
      %parallel_loop3A_135 = vector.shape_cast %parallel_loop3A_134 : vector<1x16xf32> to vector<16xf32>
      %parallel_loop3A_136 = arith.mulf %parallel_loop3A_135, %get3A_4 : vector<16xf32>
      %parallel_loop3A_137 = arith.constant 2 : i32
      %parallel_loop3A_138 = arith.index_cast %parallel_loop3A_137 : i32 to index
      %parallel_loop3A_139 = arith.index_cast %parallel_loop3A_130 : i32 to index
      %parallel_loop3A_140 = tpu.vector_load %arg5[%parallel_loop3A_138, %parallel_loop3A_139] {strides = array<i32>} : memref<4x4096xf32, #tpu.memory_space<vmem>>, vector<1x16xf32>,
      %parallel_loop3A_141 = vector.shape_cast %parallel_loop3A_140 : vector<1x16xf32> to vector<16xf32>
      %parallel_loop3A_142 = vector.shape_cast %parallel_loop3A_136 : vector<16xf32> to vector<1x16xf32>
      tpu.vector_store %arg5[%parallel_loop3A_138, %parallel_loop3A_139], %parallel_loop3A_142 {strides = array<i32>} : memref<4x4096xf32, #tpu.memory_space<vmem>>, vector<1x16xf32>,
    } {sc.loop_unroll_factor = 8 : i64, sc.parallel_access}
    %parallel_loop3A_33 = arith.constant 0 : i32
    %parallel_loop3A_34 = arith.constant 4096 : i32
    %parallel_loop3A_35 = arith.constant 16 : i32
    scf.for %parallel_loop3A_130 = %parallel_loop3A_33 to %parallel_loop3A_34 step %parallel_loop3A_35  : i32 {
      %parallel_loop3A_131 = arith.constant 3 : i32
      %parallel_loop3A_132 = arith.index_cast %parallel_loop3A_131 : i32 to index
      %parallel_loop3A_133 = arith.index_cast %parallel_loop3A_130 : i32 to index
      %parallel_loop3A_134 = tpu.vector_load %arg5[%parallel_loop3A_132, %parallel_loop3A_133] {strides = array<i32>} : memref<4x4096xf32, #tpu.memory_space<vmem>>, vector<1x16xf32>,
      %parallel_loop3A_135 = vector.shape_cast %parallel_loop3A_134 : vector<1x16xf32> to vector<16xf32>
      %parallel_loop3A_136 = arith.mulf %parallel_loop3A_135, %get3A_4 : vector<16xf32>
      %parallel_loop3A_137 = arith.constant 3 : i32
      %parallel_loop3A_138 = arith.index_cast %parallel_loop3A_137 : i32 to index
      %parallel_loop3A_139 = arith.index_cast %parallel_loop3A_130 : i32 to index
      %parallel_loop3A_140 = tpu.vector_load %arg5[%parallel_loop3A_138, %parallel_loop3A_139] {strides = array<i32>} : memref<4x4096xf32, #tpu.memory_space<vmem>>, vector<1x16xf32>,
      %parallel_loop3A_141 = vector.shape_cast %parallel_loop3A_140 : vector<1x16xf32> to vector<16xf32>
      %parallel_loop3A_142 = vector.shape_cast %parallel_loop3A_136 : vector<16xf32> to vector<1x16xf32>
      tpu.vector_store %arg5[%parallel_loop3A_138, %parallel_loop3A_139], %parallel_loop3A_142 {strides = array<i32>} : memref<4x4096xf32, #tpu.memory_space<vmem>>, vector<1x16xf32>,
    } {sc.loop_unroll_factor = 8 : i64, sc.parallel_access}
    %add3A_36 = arith.constant 0 : i32
    %add3A_37 = arith.addi %mul3A_2, %add3A_36 : i32
    %dma_start3A_38 = arith.constant 0 : i32
    %dma_start3A_39 = tpu.memref_slice %arg4[%add3A_37, %dma_start3A_38] : memref<512x4096xf32, #tpu.memory_space<hbm>> -> memref<4x4096xf32, #tpu.memory_space<hbm>>
    %dma_start3A_40 = arith.constant 0 : i32
    %dma_start3A_41 = tpu.memref_slice %arg4[%add3A_37, %dma_start3A_40] : memref<512x4096xf32, #tpu.memory_space<hbm>> -> memref<4x4096xf32, #tpu.memory_space<hbm>>
    tpu.enqueue_dma source(%arg5 : memref<4x4096xf32, #tpu.memory_space<vmem>>) target(%dma_start3A_41 : memref<4x4096xf32, #tpu.memory_space<hbm>>) target_semaphore(%arg10 : memref<!tpu.dma_semaphore, #tpu.memory_space<semaphore_mem>>)
    %dma_wait3A_42 = arith.constant 0 : i32
    %dma_wait3A_43 = tpu.memref_slice %arg4[%add3A_37, %dma_wait3A_42] : memref<512x4096xf32, #tpu.memory_space<hbm>> -> memref<4x4096xf32, #tpu.memory_space<hbm>>
    %dma_wait3A_44 = arith.constant 0 : i32
    %dma_wait3A_45 = tpu.memref_slice %arg4[%add3A_37, %dma_wait3A_44] : memref<512x4096xf32, #tpu.memory_space<hbm>> -> memref<4x4096xf32, #tpu.memory_space<hbm>>
    tpu.wait_dma2 semaphore(%arg10 : memref<!tpu.dma_semaphore, #tpu.memory_space<semaphore_mem>>) src(%arg5 : memref<4x4096xf32, #tpu.memory_space<vmem>>) dst(%dma_wait3A_45 : memref<4x4096xf32, #tpu.memory_space<hbm>>)
    %add3A_46 = arith.constant 12 : i32
    %add3A_47 = arith.addi %mul3A_2, %add3A_46 : i32
    %dma_start3A_48 = arith.constant 0 : i32
    %dma_start3A_49 = tpu.memref_slice %arg2[%add3A_47, %dma_start3A_48] : memref<4096x4096xf32, #tpu.memory_space<hbm>> -> memref<4x4096xf32, #tpu.memory_space<hbm>>
    %dma_start3A_50 = arith.constant 0 : i32
    %dma_start3A_51 = tpu.memref_slice %arg2[%add3A_47, %dma_start3A_50] : memref<4096x4096xf32, #tpu.memory_space<hbm>> -> memref<4x4096xf32, #tpu.memory_space<hbm>>
    tpu.enqueue_dma source(%dma_start3A_51 : memref<4x4096xf32, #tpu.memory_space<hbm>>) target(%arg5 : memref<4x4096xf32, #tpu.memory_space<vmem>>) target_semaphore(%arg9 : memref<!tpu.dma_semaphore, #tpu.memory_space<semaphore_mem>>)
    %dma_wait3A_52 = arith.constant 0 : i32
    %dma_wait3A_53 = tpu.memref_slice %arg2[%add3A_11, %dma_wait3A_52] : memref<4096x4096xf32, #tpu.memory_space<hbm>> -> memref<4x4096xf32, #tpu.memory_space<hbm>>
    %dma_wait3A_54 = arith.constant 0 : i32
    %dma_wait3A_55 = tpu.memref_slice %arg2[%add3A_11, %dma_wait3A_54] : memref<4096x4096xf32, #tpu.memory_space<hbm>> -> memref<4x4096xf32, #tpu.memory_space<hbm>>
    tpu.wait_dma2 semaphore(%arg9 : memref<!tpu.dma_semaphore, #tpu.memory_space<semaphore_mem>>) src(%dma_wait3A_55 : memref<4x4096xf32, #tpu.memory_space<hbm>>) dst(%arg6 : memref<4x4096xf32, #tpu.memory_space<vmem>>)
    %parallel_loop3A_56 = arith.constant 0 : i32
    %parallel_loop3A_57 = arith.constant 4096 : i32
    %parallel_loop3A_58 = arith.constant 16 : i32
    scf.for %parallel_loop3A_130 = %parallel_loop3A_56 to %parallel_loop3A_57 step %parallel_loop3A_58  : i32 {
      %parallel_loop3A_131 = arith.constant 0 : i32
      %parallel_loop3A_132 = arith.index_cast %parallel_loop3A_131 : i32 to index
      %parallel_loop3A_133 = arith.index_cast %parallel_loop3A_130 : i32 to index
      %parallel_loop3A_134 = tpu.vector_load %arg6[%parallel_loop3A_132, %parallel_loop3A_133] {strides = array<i32>} : memref<4x4096xf32, #tpu.memory_space<vmem>>, vector<1x16xf32>,
      %parallel_loop3A_135 = vector.shape_cast %parallel_loop3A_134 : vector<1x16xf32> to vector<16xf32>
      %parallel_loop3A_136 = arith.mulf %parallel_loop3A_135, %get3A_4 : vector<16xf32>
      %parallel_loop3A_137 = arith.constant 0 : i32
      %parallel_loop3A_138 = arith.index_cast %parallel_loop3A_137 : i32 to index
      %parallel_loop3A_139 = arith.index_cast %parallel_loop3A_130 : i32 to index
      %parallel_loop3A_140 = tpu.vector_load %arg6[%parallel_loop3A_138, %parallel_loop3A_139] {strides = array<i32>} : memref<4x4096xf32, #tpu.memory_space<vmem>>, vector<1x16xf32>,
      %parallel_loop3A_141 = vector.shape_cast %parallel_loop3A_140 : vector<1x16xf32> to vector<16xf32>
      %parallel_loop3A_142 = vector.shape_cast %parallel_loop3A_136 : vector<16xf32> to vector<1x16xf32>
      tpu.vector_store %arg6[%parallel_loop3A_138, %parallel_loop3A_139], %parallel_loop3A_142 {strides = array<i32>} : memref<4x4096xf32, #tpu.memory_space<vmem>>, vector<1x16xf32>,
    } {sc.loop_unroll_factor = 8 : i64, sc.parallel_access}
    %parallel_loop3A_59 = arith.constant 0 : i32
    %parallel_loop3A_60 = arith.constant 4096 : i32
    %parallel_loop3A_61 = arith.constant 16 : i32
    scf.for %parallel_loop3A_130 = %parallel_loop3A_59 to %parallel_loop3A_60 step %parallel_loop3A_61  : i32 {
      %parallel_loop3A_131 = arith.constant 1 : i32
      %parallel_loop3A_132 = arith.index_cast %parallel_loop3A_131 : i32 to index
      %parallel_loop3A_133 = arith.index_cast %parallel_loop3A_130 : i32 to index
      %parallel_loop3A_134 = tpu.vector_load %arg6[%parallel_loop3A_132, %parallel_loop3A_133] {strides = array<i32>} : memref<4x4096xf32, #tpu.memory_space<vmem>>, vector<1x16xf32>,
      %parallel_loop3A_135 = vector.shape_cast %parallel_loop3A_134 : vector<1x16xf32> to vector<16xf32>
      %parallel_loop3A_136 = arith.mulf %parallel_loop3A_135, %get3A_4 : vector<16xf32>
      %parallel_loop3A_137 = arith.constant 1 : i32
      %parallel_loop3A_138 = arith.index_cast %parallel_loop3A_137 : i32 to index
      %parallel_loop3A_139 = arith.index_cast %parallel_loop3A_130 : i32 to index
      %parallel_loop3A_140 = tpu.vector_load %arg6[%parallel_loop3A_138, %parallel_loop3A_139] {strides = array<i32>} : memref<4x4096xf32, #tpu.memory_space<vmem>>, vector<1x16xf32>,
      %parallel_loop3A_141 = vector.shape_cast %parallel_loop3A_140 : vector<1x16xf32> to vector<16xf32>
      %parallel_loop3A_142 = vector.shape_cast %parallel_loop3A_136 : vector<16xf32> to vector<1x16xf32>
      tpu.vector_store %arg6[%parallel_loop3A_138, %parallel_loop3A_139], %parallel_loop3A_142 {strides = array<i32>} : memref<4x4096xf32, #tpu.memory_space<vmem>>, vector<1x16xf32>,
    } {sc.loop_unroll_factor = 8 : i64, sc.parallel_access}
    %parallel_loop3A_62 = arith.constant 0 : i32
    %parallel_loop3A_63 = arith.constant 4096 : i32
    %parallel_loop3A_64 = arith.constant 16 : i32
    scf.for %parallel_loop3A_130 = %parallel_loop3A_62 to %parallel_loop3A_63 step %parallel_loop3A_64  : i32 {
      %parallel_loop3A_131 = arith.constant 2 : i32
      %parallel_loop3A_132 = arith.index_cast %parallel_loop3A_131 : i32 to index
      %parallel_loop3A_133 = arith.index_cast %parallel_loop3A_130 : i32 to index
      %parallel_loop3A_134 = tpu.vector_load %arg6[%parallel_loop3A_132, %parallel_loop3A_133] {strides = array<i32>} : memref<4x4096xf32, #tpu.memory_space<vmem>>, vector<1x16xf32>,
      %parallel_loop3A_135 = vector.shape_cast %parallel_loop3A_134 : vector<1x16xf32> to vector<16xf32>
      %parallel_loop3A_136 = arith.mulf %parallel_loop3A_135, %get3A_4 : vector<16xf32>
      %parallel_loop3A_137 = arith.constant 2 : i32
      %parallel_loop3A_138 = arith.index_cast %parallel_loop3A_137 : i32 to index
      %parallel_loop3A_139 = arith.index_cast %parallel_loop3A_130 : i32 to index
      %parallel_loop3A_140 = tpu.vector_load %arg6[%parallel_loop3A_138, %parallel_loop3A_139] {strides = array<i32>} : memref<4x4096xf32, #tpu.memory_space<vmem>>, vector<1x16xf32>,
      %parallel_loop3A_141 = vector.shape_cast %parallel_loop3A_140 : vector<1x16xf32> to vector<16xf32>
      %parallel_loop3A_142 = vector.shape_cast %parallel_loop3A_136 : vector<16xf32> to vector<1x16xf32>
      tpu.vector_store %arg6[%parallel_loop3A_138, %parallel_loop3A_139], %parallel_loop3A_142 {strides = array<i32>} : memref<4x4096xf32, #tpu.memory_space<vmem>>, vector<1x16xf32>,
    } {sc.loop_unroll_factor = 8 : i64, sc.parallel_access}
    %parallel_loop3A_65 = arith.constant 0 : i32
    %parallel_loop3A_66 = arith.constant 4096 : i32
    %parallel_loop3A_67 = arith.constant 16 : i32
    scf.for %parallel_loop3A_130 = %parallel_loop3A_65 to %parallel_loop3A_66 step %parallel_loop3A_67  : i32 {
      %parallel_loop3A_131 = arith.constant 3 : i32
      %parallel_loop3A_132 = arith.index_cast %parallel_loop3A_131 : i32 to index
      %parallel_loop3A_133 = arith.index_cast %parallel_loop3A_130 : i32 to index
      %parallel_loop3A_134 = tpu.vector_load %arg6[%parallel_loop3A_132, %parallel_loop3A_133] {strides = array<i32>} : memref<4x4096xf32, #tpu.memory_space<vmem>>, vector<1x16xf32>,
      %parallel_loop3A_135 = vector.shape_cast %parallel_loop3A_134 : vector<1x16xf32> to vector<16xf32>
      %parallel_loop3A_136 = arith.mulf %parallel_loop3A_135, %get3A_4 : vector<16xf32>
      %parallel_loop3A_137 = arith.constant 3 : i32
      %parallel_loop3A_138 = arith.index_cast %parallel_loop3A_137 : i32 to index
      %parallel_loop3A_139 = arith.index_cast %parallel_loop3A_130 : i32 to index
      %parallel_loop3A_140 = tpu.vector_load %arg6[%parallel_loop3A_138, %parallel_loop3A_139] {strides = array<i32>} : memref<4x4096xf32, #tpu.memory_space<vmem>>, vector<1x16xf32>,
      %parallel_loop3A_141 = vector.shape_cast %parallel_loop3A_140 : vector<1x16xf32> to vector<16xf32>
      %parallel_loop3A_142 = vector.shape_cast %parallel_loop3A_136 : vector<16xf32> to vector<1x16xf32>
      tpu.vector_store %arg6[%parallel_loop3A_138, %parallel_loop3A_139], %parallel_loop3A_142 {strides = array<i32>} : memref<4x4096xf32, #tpu.memory_space<vmem>>, vector<1x16xf32>,
    } {sc.loop_unroll_factor = 8 : i64, sc.parallel_access}
    %add3A_68 = arith.constant 4 : i32
    %add3A_69 = arith.addi %mul3A_2, %add3A_68 : i32
    %dma_start3A_70 = arith.constant 0 : i32
    %dma_start3A_71 = tpu.memref_slice %arg4[%add3A_69, %dma_start3A_70] : memref<512x4096xf32, #tpu.memory_space<hbm>> -> memref<4x4096xf32, #tpu.memory_space<hbm>>
    %dma_start3A_72 = arith.constant 0 : i32
    %dma_start3A_73 = tpu.memref_slice %arg4[%add3A_69, %dma_start3A_72] : memref<512x4096xf32, #tpu.memory_space<hbm>> -> memref<4x4096xf32, #tpu.memory_space<hbm>>
    tpu.enqueue_dma source(%arg6 : memref<4x4096xf32, #tpu.memory_space<vmem>>) target(%dma_start3A_73 : memref<4x4096xf32, #tpu.memory_space<hbm>>) target_semaphore(%arg10 : memref<!tpu.dma_semaphore, #tpu.memory_space<semaphore_mem>>)
    %dma_wait3A_74 = arith.constant 0 : i32
    %dma_wait3A_75 = tpu.memref_slice %arg2[%add3A_17, %dma_wait3A_74] : memref<4096x4096xf32, #tpu.memory_space<hbm>> -> memref<4x4096xf32, #tpu.memory_space<hbm>>
    %dma_wait3A_76 = arith.constant 0 : i32
    %dma_wait3A_77 = tpu.memref_slice %arg2[%add3A_17, %dma_wait3A_76] : memref<4096x4096xf32, #tpu.memory_space<hbm>> -> memref<4x4096xf32, #tpu.memory_space<hbm>>
    tpu.wait_dma2 semaphore(%arg9 : memref<!tpu.dma_semaphore, #tpu.memory_space<semaphore_mem>>) src(%dma_wait3A_77 : memref<4x4096xf32, #tpu.memory_space<hbm>>) dst(%arg7 : memref<4x4096xf32, #tpu.memory_space<vmem>>)
    %parallel_loop3A_78 = arith.constant 0 : i32
    %parallel_loop3A_79 = arith.constant 4096 : i32
    %parallel_loop3A_80 = arith.constant 16 : i32
    scf.for %parallel_loop3A_130 = %parallel_loop3A_78 to %parallel_loop3A_79 step %parallel_loop3A_80  : i32 {
      %parallel_loop3A_131 = arith.constant 0 : i32
      %parallel_loop3A_132 = arith.index_cast %parallel_loop3A_131 : i32 to index
      %parallel_loop3A_133 = arith.index_cast %parallel_loop3A_130 : i32 to index
      %parallel_loop3A_134 = tpu.vector_load %arg7[%parallel_loop3A_132, %parallel_loop3A_133] {strides = array<i32>} : memref<4x4096xf32, #tpu.memory_space<vmem>>, vector<1x16xf32>,
      %parallel_loop3A_135 = vector.shape_cast %parallel_loop3A_134 : vector<1x16xf32> to vector<16xf32>
      %parallel_loop3A_136 = arith.mulf %parallel_loop3A_135, %get3A_4 : vector<16xf32>
      %parallel_loop3A_137 = arith.constant 0 : i32
      %parallel_loop3A_138 = arith.index_cast %parallel_loop3A_137 : i32 to index
      %parallel_loop3A_139 = arith.index_cast %parallel_loop3A_130 : i32 to index
      %parallel_loop3A_140 = tpu.vector_load %arg7[%parallel_loop3A_138, %parallel_loop3A_139] {strides = array<i32>} : memref<4x4096xf32, #tpu.memory_space<vmem>>, vector<1x16xf32>,
      %parallel_loop3A_141 = vector.shape_cast %parallel_loop3A_140 : vector<1x16xf32> to vector<16xf32>
      %parallel_loop3A_142 = vector.shape_cast %parallel_loop3A_136 : vector<16xf32> to vector<1x16xf32>
      tpu.vector_store %arg7[%parallel_loop3A_138, %parallel_loop3A_139], %parallel_loop3A_142 {strides = array<i32>} : memref<4x4096xf32, #tpu.memory_space<vmem>>, vector<1x16xf32>,
    } {sc.loop_unroll_factor = 8 : i64, sc.parallel_access}
    %parallel_loop3A_81 = arith.constant 0 : i32
    %parallel_loop3A_82 = arith.constant 4096 : i32
    %parallel_loop3A_83 = arith.constant 16 : i32
    scf.for %parallel_loop3A_130 = %parallel_loop3A_81 to %parallel_loop3A_82 step %parallel_loop3A_83  : i32 {
      %parallel_loop3A_131 = arith.constant 1 : i32
      %parallel_loop3A_132 = arith.index_cast %parallel_loop3A_131 : i32 to index
      %parallel_loop3A_133 = arith.index_cast %parallel_loop3A_130 : i32 to index
      %parallel_loop3A_134 = tpu.vector_load %arg7[%parallel_loop3A_132, %parallel_loop3A_133] {strides = array<i32>} : memref<4x4096xf32, #tpu.memory_space<vmem>>, vector<1x16xf32>,
      %parallel_loop3A_135 = vector.shape_cast %parallel_loop3A_134 : vector<1x16xf32> to vector<16xf32>
      %parallel_loop3A_136 = arith.mulf %parallel_loop3A_135, %get3A_4 : vector<16xf32>
      %parallel_loop3A_137 = arith.constant 1 : i32
      %parallel_loop3A_138 = arith.index_cast %parallel_loop3A_137 : i32 to index
      %parallel_loop3A_139 = arith.index_cast %parallel_loop3A_130 : i32 to index
      %parallel_loop3A_140 = tpu.vector_load %arg7[%parallel_loop3A_138, %parallel_loop3A_139] {strides = array<i32>} : memref<4x4096xf32, #tpu.memory_space<vmem>>, vector<1x16xf32>,
      %parallel_loop3A_141 = vector.shape_cast %parallel_loop3A_140 : vector<1x16xf32> to vector<16xf32>
      %parallel_loop3A_142 = vector.shape_cast %parallel_loop3A_136 : vector<16xf32> to vector<1x16xf32>
      tpu.vector_store %arg7[%parallel_loop3A_138, %parallel_loop3A_139], %parallel_loop3A_142 {strides = array<i32>} : memref<4x4096xf32, #tpu.memory_space<vmem>>, vector<1x16xf32>,
    } {sc.loop_unroll_factor = 8 : i64, sc.parallel_access}
    %parallel_loop3A_84 = arith.constant 0 : i32
    %parallel_loop3A_85 = arith.constant 4096 : i32
    %parallel_loop3A_86 = arith.constant 16 : i32
    scf.for %parallel_loop3A_130 = %parallel_loop3A_84 to %parallel_loop3A_85 step %parallel_loop3A_86  : i32 {
      %parallel_loop3A_131 = arith.constant 2 : i32
      %parallel_loop3A_132 = arith.index_cast %parallel_loop3A_131 : i32 to index
      %parallel_loop3A_133 = arith.index_cast %parallel_loop3A_130 : i32 to index
      %parallel_loop3A_134 = tpu.vector_load %arg7[%parallel_loop3A_132, %parallel_loop3A_133] {strides = array<i32>} : memref<4x4096xf32, #tpu.memory_space<vmem>>, vector<1x16xf32>,
      %parallel_loop3A_135 = vector.shape_cast %parallel_loop3A_134 : vector<1x16xf32> to vector<16xf32>
      %parallel_loop3A_136 = arith.mulf %parallel_loop3A_135, %get3A_4 : vector<16xf32>
      %parallel_loop3A_137 = arith.constant 2 : i32
      %parallel_loop3A_138 = arith.index_cast %parallel_loop3A_137 : i32 to index
      %parallel_loop3A_139 = arith.index_cast %parallel_loop3A_130 : i32 to index
      %parallel_loop3A_140 = tpu.vector_load %arg7[%parallel_loop3A_138, %parallel_loop3A_139] {strides = array<i32>} : memref<4x4096xf32, #tpu.memory_space<vmem>>, vector<1x16xf32>,
      %parallel_loop3A_141 = vector.shape_cast %parallel_loop3A_140 : vector<1x16xf32> to vector<16xf32>
      %parallel_loop3A_142 = vector.shape_cast %parallel_loop3A_136 : vector<16xf32> to vector<1x16xf32>
      tpu.vector_store %arg7[%parallel_loop3A_138, %parallel_loop3A_139], %parallel_loop3A_142 {strides = array<i32>} : memref<4x4096xf32, #tpu.memory_space<vmem>>, vector<1x16xf32>,
    } {sc.loop_unroll_factor = 8 : i64, sc.parallel_access}
    %parallel_loop3A_87 = arith.constant 0 : i32
    %parallel_loop3A_88 = arith.constant 4096 : i32
    %parallel_loop3A_89 = arith.constant 16 : i32
    scf.for %parallel_loop3A_130 = %parallel_loop3A_87 to %parallel_loop3A_88 step %parallel_loop3A_89  : i32 {
      %parallel_loop3A_131 = arith.constant 3 : i32
      %parallel_loop3A_132 = arith.index_cast %parallel_loop3A_131 : i32 to index
      %parallel_loop3A_133 = arith.index_cast %parallel_loop3A_130 : i32 to index
      %parallel_loop3A_134 = tpu.vector_load %arg7[%parallel_loop3A_132, %parallel_loop3A_133] {strides = array<i32>} : memref<4x4096xf32, #tpu.memory_space<vmem>>, vector<1x16xf32>,
      %parallel_loop3A_135 = vector.shape_cast %parallel_loop3A_134 : vector<1x16xf32> to vector<16xf32>
      %parallel_loop3A_136 = arith.mulf %parallel_loop3A_135, %get3A_4 : vector<16xf32>
      %parallel_loop3A_137 = arith.constant 3 : i32
      %parallel_loop3A_138 = arith.index_cast %parallel_loop3A_137 : i32 to index
      %parallel_loop3A_139 = arith.index_cast %parallel_loop3A_130 : i32 to index
      %parallel_loop3A_140 = tpu.vector_load %arg7[%parallel_loop3A_138, %parallel_loop3A_139] {strides = array<i32>} : memref<4x4096xf32, #tpu.memory_space<vmem>>, vector<1x16xf32>,
      %parallel_loop3A_141 = vector.shape_cast %parallel_loop3A_140 : vector<1x16xf32> to vector<16xf32>
      %parallel_loop3A_142 = vector.shape_cast %parallel_loop3A_136 : vector<16xf32> to vector<1x16xf32>
      tpu.vector_store %arg7[%parallel_loop3A_138, %parallel_loop3A_139], %parallel_loop3A_142 {strides = array<i32>} : memref<4x4096xf32, #tpu.memory_space<vmem>>, vector<1x16xf32>,
    } {sc.loop_unroll_factor = 8 : i64, sc.parallel_access}
    %add3A_90 = arith.constant 8 : i32
    %add3A_91 = arith.addi %mul3A_2, %add3A_90 : i32
    %dma_start3A_92 = arith.constant 0 : i32
    %dma_start3A_93 = tpu.memref_slice %arg4[%add3A_91, %dma_start3A_92] : memref<512x4096xf32, #tpu.memory_space<hbm>> -> memref<4x4096xf32, #tpu.memory_space<hbm>>
    %dma_start3A_94 = arith.constant 0 : i32
    %dma_start3A_95 = tpu.memref_slice %arg4[%add3A_91, %dma_start3A_94] : memref<512x4096xf32, #tpu.memory_space<hbm>> -> memref<4x4096xf32, #tpu.memory_space<hbm>>
    tpu.enqueue_dma source(%arg7 : memref<4x4096xf32, #tpu.memory_space<vmem>>) target(%dma_start3A_95 : memref<4x4096xf32, #tpu.memory_space<hbm>>) target_semaphore(%arg10 : memref<!tpu.dma_semaphore, #tpu.memory_space<semaphore_mem>>)
    %dma_wait3A_96 = arith.constant 0 : i32
    %dma_wait3A_97 = tpu.memref_slice %arg2[%add3A_47, %dma_wait3A_96] : memref<4096x4096xf32, #tpu.memory_space<hbm>> -> memref<4x4096xf32, #tpu.memory_space<hbm>>
    %dma_wait3A_98 = arith.constant 0 : i32
    %dma_wait3A_99 = tpu.memref_slice %arg2[%add3A_47, %dma_wait3A_98] : memref<4096x4096xf32, #tpu.memory_space<hbm>> -> memref<4x4096xf32, #tpu.memory_space<hbm>>
    tpu.wait_dma2 semaphore(%arg9 : memref<!tpu.dma_semaphore, #tpu.memory_space<semaphore_mem>>) src(%dma_wait3A_99 : memref<4x4096xf32, #tpu.memory_space<hbm>>) dst(%arg5 : memref<4x4096xf32, #tpu.memory_space<vmem>>)
    %parallel_loop3A_100 = arith.constant 0 : i32
    %parallel_loop3A_101 = arith.constant 4096 : i32
    %parallel_loop3A_102 = arith.constant 16 : i32
    scf.for %parallel_loop3A_130 = %parallel_loop3A_100 to %parallel_loop3A_101 step %parallel_loop3A_102  : i32 {
      %parallel_loop3A_131 = arith.constant 0 : i32
      %parallel_loop3A_132 = arith.index_cast %parallel_loop3A_131 : i32 to index
      %parallel_loop3A_133 = arith.index_cast %parallel_loop3A_130 : i32 to index
      %parallel_loop3A_134 = tpu.vector_load %arg5[%parallel_loop3A_132, %parallel_loop3A_133] {strides = array<i32>} : memref<4x4096xf32, #tpu.memory_space<vmem>>, vector<1x16xf32>,
      %parallel_loop3A_135 = vector.shape_cast %parallel_loop3A_134 : vector<1x16xf32> to vector<16xf32>
      %parallel_loop3A_136 = arith.mulf %parallel_loop3A_135, %get3A_4 : vector<16xf32>
      %parallel_loop3A_137 = arith.constant 0 : i32
      %parallel_loop3A_138 = arith.index_cast %parallel_loop3A_137 : i32 to index
      %parallel_loop3A_139 = arith.index_cast %parallel_loop3A_130 : i32 to index
      %parallel_loop3A_140 = tpu.vector_load %arg5[%parallel_loop3A_138, %parallel_loop3A_139] {strides = array<i32>} : memref<4x4096xf32, #tpu.memory_space<vmem>>, vector<1x16xf32>,
      %parallel_loop3A_141 = vector.shape_cast %parallel_loop3A_140 : vector<1x16xf32> to vector<16xf32>
      %parallel_loop3A_142 = vector.shape_cast %parallel_loop3A_136 : vector<16xf32> to vector<1x16xf32>
      tpu.vector_store %arg5[%parallel_loop3A_138, %parallel_loop3A_139], %parallel_loop3A_142 {strides = array<i32>} : memref<4x4096xf32, #tpu.memory_space<vmem>>, vector<1x16xf32>,
    } {sc.loop_unroll_factor = 8 : i64, sc.parallel_access}
    %parallel_loop3A_103 = arith.constant 0 : i32
    %parallel_loop3A_104 = arith.constant 4096 : i32
    %parallel_loop3A_105 = arith.constant 16 : i32
    scf.for %parallel_loop3A_130 = %parallel_loop3A_103 to %parallel_loop3A_104 step %parallel_loop3A_105  : i32 {
      %parallel_loop3A_131 = arith.constant 1 : i32
      %parallel_loop3A_132 = arith.index_cast %parallel_loop3A_131 : i32 to index
      %parallel_loop3A_133 = arith.index_cast %parallel_loop3A_130 : i32 to index
      %parallel_loop3A_134 = tpu.vector_load %arg5[%parallel_loop3A_132, %parallel_loop3A_133] {strides = array<i32>} : memref<4x4096xf32, #tpu.memory_space<vmem>>, vector<1x16xf32>,
      %parallel_loop3A_135 = vector.shape_cast %parallel_loop3A_134 : vector<1x16xf32> to vector<16xf32>
      %parallel_loop3A_136 = arith.mulf %parallel_loop3A_135, %get3A_4 : vector<16xf32>
      %parallel_loop3A_137 = arith.constant 1 : i32
      %parallel_loop3A_138 = arith.index_cast %parallel_loop3A_137 : i32 to index
      %parallel_loop3A_139 = arith.index_cast %parallel_loop3A_130 : i32 to index
      %parallel_loop3A_140 = tpu.vector_load %arg5[%parallel_loop3A_138, %parallel_loop3A_139] {strides = array<i32>} : memref<4x4096xf32, #tpu.memory_space<vmem>>, vector<1x16xf32>,
      %parallel_loop3A_141 = vector.shape_cast %parallel_loop3A_140 : vector<1x16xf32> to vector<16xf32>
      %parallel_loop3A_142 = vector.shape_cast %parallel_loop3A_136 : vector<16xf32> to vector<1x16xf32>
      tpu.vector_store %arg5[%parallel_loop3A_138, %parallel_loop3A_139], %parallel_loop3A_142 {strides = array<i32>} : memref<4x4096xf32, #tpu.memory_space<vmem>>, vector<1x16xf32>,
    } {sc.loop_unroll_factor = 8 : i64, sc.parallel_access}
    %parallel_loop3A_106 = arith.constant 0 : i32
    %parallel_loop3A_107 = arith.constant 4096 : i32
    %parallel_loop3A_108 = arith.constant 16 : i32
    scf.for %parallel_loop3A_130 = %parallel_loop3A_106 to %parallel_loop3A_107 step %parallel_loop3A_108  : i32 {
      %parallel_loop3A_131 = arith.constant 2 : i32
      %parallel_loop3A_132 = arith.index_cast %parallel_loop3A_131 : i32 to index
      %parallel_loop3A_133 = arith.index_cast %parallel_loop3A_130 : i32 to index
      %parallel_loop3A_134 = tpu.vector_load %arg5[%parallel_loop3A_132, %parallel_loop3A_133] {strides = array<i32>} : memref<4x4096xf32, #tpu.memory_space<vmem>>, vector<1x16xf32>,
      %parallel_loop3A_135 = vector.shape_cast %parallel_loop3A_134 : vector<1x16xf32> to vector<16xf32>
      %parallel_loop3A_136 = arith.mulf %parallel_loop3A_135, %get3A_4 : vector<16xf32>
      %parallel_loop3A_137 = arith.constant 2 : i32
      %parallel_loop3A_138 = arith.index_cast %parallel_loop3A_137 : i32 to index
      %parallel_loop3A_139 = arith.index_cast %parallel_loop3A_130 : i32 to index
      %parallel_loop3A_140 = tpu.vector_load %arg5[%parallel_loop3A_138, %parallel_loop3A_139] {strides = array<i32>} : memref<4x4096xf32, #tpu.memory_space<vmem>>, vector<1x16xf32>,
      %parallel_loop3A_141 = vector.shape_cast %parallel_loop3A_140 : vector<1x16xf32> to vector<16xf32>
      %parallel_loop3A_142 = vector.shape_cast %parallel_loop3A_136 : vector<16xf32> to vector<1x16xf32>
      tpu.vector_store %arg5[%parallel_loop3A_138, %parallel_loop3A_139], %parallel_loop3A_142 {strides = array<i32>} : memref<4x4096xf32, #tpu.memory_space<vmem>>, vector<1x16xf32>,
    } {sc.loop_unroll_factor = 8 : i64, sc.parallel_access}
    %parallel_loop3A_109 = arith.constant 0 : i32
    %parallel_loop3A_110 = arith.constant 4096 : i32
    %parallel_loop3A_111 = arith.constant 16 : i32
    scf.for %parallel_loop3A_130 = %parallel_loop3A_109 to %parallel_loop3A_110 step %parallel_loop3A_111  : i32 {
      %parallel_loop3A_131 = arith.constant 3 : i32
      %parallel_loop3A_132 = arith.index_cast %parallel_loop3A_131 : i32 to index
      %parallel_loop3A_133 = arith.index_cast %parallel_loop3A_130 : i32 to index
      %parallel_loop3A_134 = tpu.vector_load %arg5[%parallel_loop3A_132, %parallel_loop3A_133] {strides = array<i32>} : memref<4x4096xf32, #tpu.memory_space<vmem>>, vector<1x16xf32>,
      %parallel_loop3A_135 = vector.shape_cast %parallel_loop3A_134 : vector<1x16xf32> to vector<16xf32>
      %parallel_loop3A_136 = arith.mulf %parallel_loop3A_135, %get3A_4 : vector<16xf32>
      %parallel_loop3A_137 = arith.constant 3 : i32
      %parallel_loop3A_138 = arith.index_cast %parallel_loop3A_137 : i32 to index
      %parallel_loop3A_139 = arith.index_cast %parallel_loop3A_130 : i32 to index
      %parallel_loop3A_140 = tpu.vector_load %arg5[%parallel_loop3A_138, %parallel_loop3A_139] {strides = array<i32>} : memref<4x4096xf32, #tpu.memory_space<vmem>>, vector<1x16xf32>,
      %parallel_loop3A_141 = vector.shape_cast %parallel_loop3A_140 : vector<1x16xf32> to vector<16xf32>
      %parallel_loop3A_142 = vector.shape_cast %parallel_loop3A_136 : vector<16xf32> to vector<1x16xf32>
      tpu.vector_store %arg5[%parallel_loop3A_138, %parallel_loop3A_139], %parallel_loop3A_142 {strides = array<i32>} : memref<4x4096xf32, #tpu.memory_space<vmem>>, vector<1x16xf32>,
    } {sc.loop_unroll_factor = 8 : i64, sc.parallel_access}
    %add3A_112 = arith.constant 12 : i32
    %add3A_113 = arith.addi %mul3A_2, %add3A_112 : i32
    %dma_start3A_114 = arith.constant 0 : i32
    %dma_start3A_115 = tpu.memref_slice %arg4[%add3A_113, %dma_start3A_114] : memref<512x4096xf32, #tpu.memory_space<hbm>> -> memref<4x4096xf32, #tpu.memory_space<hbm>>
    %dma_start3A_116 = arith.constant 0 : i32
    %dma_start3A_117 = tpu.memref_slice %arg4[%add3A_113, %dma_start3A_116] : memref<512x4096xf32, #tpu.memory_space<hbm>> -> memref<4x4096xf32, #tpu.memory_space<hbm>>
    tpu.enqueue_dma source(%arg5 : memref<4x4096xf32, #tpu.memory_space<vmem>>) target(%dma_start3A_117 : memref<4x4096xf32, #tpu.memory_space<hbm>>) target_semaphore(%arg10 : memref<!tpu.dma_semaphore, #tpu.memory_space<semaphore_mem>>)
    %dma_wait3A_118 = arith.constant 0 : i32
    %dma_wait3A_119 = tpu.memref_slice %arg4[%add3A_69, %dma_wait3A_118] : memref<512x4096xf32, #tpu.memory_space<hbm>> -> memref<4x4096xf32, #tpu.memory_space<hbm>>
    %dma_wait3A_120 = arith.constant 0 : i32
    %dma_wait3A_121 = tpu.memref_slice %arg4[%add3A_69, %dma_wait3A_120] : memref<512x4096xf32, #tpu.memory_space<hbm>> -> memref<4x4096xf32, #tpu.memory_space<hbm>>
    tpu.wait_dma2 semaphore(%arg10 : memref<!tpu.dma_semaphore, #tpu.memory_space<semaphore_mem>>) src(%arg6 : memref<4x4096xf32, #tpu.memory_space<vmem>>) dst(%dma_wait3A_121 : memref<4x4096xf32, #tpu.memory_space<hbm>>)
    %dma_wait3A_122 = arith.constant 0 : i32
    %dma_wait3A_123 = tpu.memref_slice %arg4[%add3A_91, %dma_wait3A_122] : memref<512x4096xf32, #tpu.memory_space<hbm>> -> memref<4x4096xf32, #tpu.memory_space<hbm>>
    %dma_wait3A_124 = arith.constant 0 : i32
    %dma_wait3A_125 = tpu.memref_slice %arg4[%add3A_91, %dma_wait3A_124] : memref<512x4096xf32, #tpu.memory_space<hbm>> -> memref<4x4096xf32, #tpu.memory_space<hbm>>
    tpu.wait_dma2 semaphore(%arg10 : memref<!tpu.dma_semaphore, #tpu.memory_space<semaphore_mem>>) src(%arg7 : memref<4x4096xf32, #tpu.memory_space<vmem>>) dst(%dma_wait3A_125 : memref<4x4096xf32, #tpu.memory_space<hbm>>)
    %dma_wait3A_126 = arith.constant 0 : i32
    %dma_wait3A_127 = tpu.memref_slice %arg4[%add3A_113, %dma_wait3A_126] : memref<512x4096xf32, #tpu.memory_space<hbm>> -> memref<4x4096xf32, #tpu.memory_space<hbm>>
    %dma_wait3A_128 = arith.constant 0 : i32
    %dma_wait3A_129 = tpu.memref_slice %arg4[%add3A_113, %dma_wait3A_128] : memref<512x4096xf32, #tpu.memory_space<hbm>> -> memref<4x4096xf32, #tpu.memory_space<hbm>>
    tpu.wait_dma2 semaphore(%arg10 : memref<!tpu.dma_semaphore, #tpu.memory_space<semaphore_mem>>) src(%arg5 : memref<4x4096xf32, #tpu.memory_space<vmem>>) dst(%dma_wait3A_129 : memref<4x4096xf32, #tpu.memory_space<hbm>>)
    return
  }
}

module attributes {stable_mosaic.version = 14 : i64} {
  func.func @_tc_body(%arg0: i32, %arg1: memref<1xf32, #tpu.memory_space<smem>>, %arg2: memref<512x4096xf32, #tpu.memory_space<vmem>>, %arg3: memref<512x4096xf32, #tpu.memory_space<vmem>>) attributes {dimension_semantics = [#tpu.dimension_semantics<arbitrary>], iteration_bounds = array<i64: 7>, scalar_prefetch = 0 : i64, scratch_operands = 0 : i64, tpu.core_type = #tpu.core_type<tc>, window_params = [{transform_indices = @transform_0, window_bounds = array<i64: 1>}, {transform_indices = @transform_1, window_bounds = array<i64: 512, 4096>}, {transform_indices = @transform_2, window_bounds = array<i64: 512, 4096>}]} {
    %get3A = arith.constant 0 : index
    %get3A_0 = arith.constant 0 : index
    %get3A_1 = vector.load %arg2[%get3A, %get3A_0] : memref<512x4096xf32, #tpu.memory_space<vmem>>, vector<512x4096xf32>
    %get3A_2 = arith.constant 0 : index
    %get3A_3 = memref.load %arg1[%get3A_2] : memref<1xf32, #tpu.memory_space<smem>>
    %mul3A = vector.broadcast %get3A_3 : f32 to vector<512x4096xf32>
    %mul3A_4 = arith.mulf %get3A_1, %mul3A : vector<512x4096xf32>
    %swap3A = arith.constant 0 : index
    %swap3A_5 = arith.constant 0 : index
    %swap3A_6 = vector.load %arg3[%swap3A, %swap3A_5] : memref<512x4096xf32, #tpu.memory_space<vmem>>, vector<512x4096xf32>
    tpu.vector_store %arg3[%swap3A, %swap3A_5], %mul3A_4 {strides = array<i32>} : memref<512x4096xf32, #tpu.memory_space<vmem>>, vector<512x4096xf32>,
    return
  }
  func.func @transform_0(%arg0: i32) -> i32 {
    %c0_i32 = arith.constant 0 : i32
    %c0_i32_0 = arith.constant 0 : i32
    return %c0_i32 : i32
  }
  func.func @transform_1(%arg0: i32) -> (i32, i32) {
    %add3A = arith.constant 1 : i32
    %add3A_0 = arith.addi %arg0, %add3A : i32
    %c0_i32 = arith.constant 0 : i32
    %c0_i32_1 = arith.constant 0 : i32
    return %add3A_0, %c0_i32 : i32, i32
  }
  func.func @transform_2(%arg0: i32) -> (i32, i32) {
    %add3A = arith.constant 1 : i32
    %add3A_0 = arith.addi %arg0, %add3A : i32
    %c0_i32 = arith.constant 0 : i32
    %c0_i32_1 = arith.constant 0 : i32
    return %add3A_0, %c0_i32 : i32, i32
  }
}

</mosaic_0001>

<sc_bundles>
// kernel: kernel.4.cloned.1.call-start
scs
__scs_entry_jumppad:
0x0: {  	(pc) =	sbr.rel $0x88, $3  }
0x1: {  	(tag) =	ssettag $0x0;
	lr =	simm.s32 $0x1  }
0x2: {  	[smem:$0x3F9F] =	sst lr;
	_ =	strace $0xD0000000  }
0x3: {  	_ = 	snop  }
0x4: {  	_ = 	snop  }
0x5: {  	_ = 	snop  }
0x6: {  	_ = 	snop  }
0x7: {  	_ = 	snop  }
__scs_overlays_trampoline_lowered:
0x8: {  	[smem:$0x3FAE] =	sst s0  }
0x9: {  	[smem:$0x3FAF] =	sst s1  }
0xa: {  	[smem:$0x3FB0] =	sst s2  }
0xb: {  	[smem:$0x3FB1] =	sst s3  }
0xc: {  	[smem:$0x3FB2] =	sst s4  }
0xd: {  	[smem:$0x3FB3] =	sst s5  }
0xe: {  	[smem:$0x3FB4] =	sst s6  }
0xf: {  	[smem:$0x3FB5] =	sst s7  }
0x10: {  	[smem:$0x3FB6] =	sst s8  }
0x11: {  	[smem:$0x3FB7] =	sst s9;
	s0 =	simm.s32 @!p0 $0x0  }
0x12: {  	s1 =	sld [smem:$0x3F9D];
	s0 =	simm.s32 @p0 $0x1  }
0x13: {  	[smem:$0x3FB8] =	sst s0;
	s0 =	simm.s32 @!p1 $0x0  }
0x14: {  	s2 =	sld [smem:$0x3F9C];
	s0 =	simm.s32 @p1 $0x1  }
0x15: {  	[smem:$0x3FB9] =	sst s0;
	s0 =	simm.s32 @!p2 $0x0  }
0x16: {  	s3 =	sld [smem:$0x3FDB];
	s0 =	simm.s32 @p2 $0x1  }
0x17: {  	s4 =	simm.s32 $0x1BF5;
	[smem:$0x3FBB] =	sst s0  }
0x18: {  	s0 =	sld [smem:$0x3F9E];
	_ =	swait.ge [sflag:s4], $0x0  }
0x19: {  	s7 =	sld [smem:$0x3F9F]  }
0x1a: {  	s8 =	sadd.s32 $0xFFFFE003, lr  }
0x1b: {  	s9 =	sadd.s32 $0xFFFFFEF7, lr;
	s5 =	simm.s32 $0xFFFFFFFF;
	p2 =	slt.u32 s8, $0xFFFFF086  }
0x1c: {  	p1 =	slt.u32 s9, $0xF7A;
	s5 =	simm.s32 @!p2 $0x0  }
0x1d: {  	s5 =	simm.s32 @p1 $0x1;
	p0 =	seq.s32 s7, s2  }
0x1e: {  	s7 =	smul.u32 @!p0 $0xF7A, s2;
	p2 =	seq.s32 @!p0 s5, $0x0  }
0x1f: {  	s9 =	smul.u32 $0xF7A, s1;
	s8 =	simm.s32 @!p0 $0x1BF5;
	p2 =	por !p2, p0  }
0x20: {  	[sflag:s8] =	ssyncset.s32 @!p0 $0xFFFFF086;
	s6 =	sadd.s32 @!p0 s3, s7;
	s7 =	simm.s32 @!p0 $0x108  }
0x21: {  	s3 =	sadd.s32 s3, s9;
	s6 =	sadd.s32 @!p0 $0x88, s6;
	s7 =	simm.s32 @p2 $0x1082  }
0x22: {  	[simem:s7], [sflag:s8] =	dma.local @!p0 [hbm:s6], $0xF7A  }
0x23: {  	s9 =	sor.u32 $0xD0000000, s2;
	s6 =	simm.s32 $0x108;
	_ =	swait.ge @!p0 [sflag:s8], $0x0  }
0x24: {  	s3 =	sadd.s32 $0x88, s3;
	s6 =	simm.s32 @!p1 $0x1082;
	[sflag:s4] =	ssyncset.s32 $0xFFFFF086  }
0x25: {  	[simem:s6], [sflag:s4] =	dma.local [hbm:s3], $0xF7A  }
0x26: {  	[smem:$0x3F9F] =	sst s1;
	(tag) =	ssettag s2;
	_ =	strace s9  }
0x27: {  	s1 =	sld [smem:$0x3FAF]  }
0x28: {  	s2 =	sld [smem:$0x3FB0]  }
0x29: {  	s4 =	sld [smem:$0x3FB2]  }
0x2a: {  	p0 =	seq.s32 s5, $0x0;
	s5 =	sld [smem:$0x3FB3]  }
0x2b: {  	s6 =	sld [smem:$0x3FB4]  }
0x2c: {  	s7 =	sld [smem:$0x3FB5]  }
0x2d: {  	s3 =	simm.s32 $0x108;
	s8 =	sld [smem:$0x3FB6]  }
0x2e: {  	s3 =	simm.s32 @!p0 $0x1082;
	s9 =	sld [smem:$0x3FB7]  }
0x2f: {  	lr =	sadd.s32 s0, s3;
	s0 =	sld [smem:$0x3FAE]  }
0x30: {  	s3 =	sld [smem:$0x3FB1]  }
0x31: {  	[smem:$0x3FBA] =	sst s10  }
0x32: {  	s10 =	sld [smem:$0x3FB8];
	_ =	sdelay $0x3  }
0x33: {  	p0 =	seq.s32 s10, $0x1;
	s10 =	sld [smem:$0x3FBA];
	_ =	sdelay $0x3  }
0x34: {  	[smem:$0x3FBA] =	sst s10  }
0x35: {  	s10 =	sld [smem:$0x3FB9];
	_ =	sdelay $0x3  }
0x36: {  	p1 =	seq.s32 s10, $0x1;
	s10 =	sld [smem:$0x3FBA];
	_ =	sdelay $0x3  }
0x37: {  	[smem:$0x3FBA] =	sst s10  }
0x38: {  	s10 =	sld [smem:$0x3FBB]  }
0x39: {  	_ = 	snop;
	(pc) =	sbr.ind lr, $3  }
0x3a: {  	_ = 	snop  }
0x3b: {  	_ = 	snop  }
0x3c: {  	p2 =	seq.s32 s10, $0x1;
	s10 =	sld [smem:$0x3FBA]  }
0x3d: {  	_ =	shalt  }
0x3e: {  	_ =	shalt  }
0x3f: {  	_ =	shalt  }
0x40: {  	_ =	shalt  }
0x41: {  	_ =	shalt  }
0x42: {  	_ =	shalt  }
0x43: {  	_ =	shalt  }
0x44: {  	_ =	shalt  }
0x45: {  	_ =	shalt  }
0x46: {  	_ =	shalt  }
0x47: {  	_ =	shalt  }
0x48: {  	_ =	shalt  }
0x49: {  	_ =	shalt  }
0x4a: {  	_ =	shalt  }
0x4b: {  	_ =	shalt  }
0x4c: {  	_ =	shalt  }
0x4d: {  	_ =	shalt  }
0x4e: {  	_ =	shalt  }
0x4f: {  	_ =	shalt  }
0x50: {  	_ =	shalt  }
0x51: {  	_ =	shalt  }
0x52: {  	_ =	shalt  }
0x53: {  	_ =	shalt  }
0x54: {  	_ =	shalt  }
0x55: {  	_ =	shalt  }
0x56: {  	_ =	shalt  }
0x57: {  	_ =	shalt  }
0x58: {  	_ =	shalt  }
0x59: {  	_ =	shalt  }
0x5a: {  	_ =	shalt  }
0x5b: {  	_ =	shalt  }
0x5c: {  	_ =	shalt  }
0x5d: {  	_ =	shalt  }
0x5e: {  	_ =	shalt  }
0x5f: {  	_ =	shalt  }
0x60: {  	_ =	shalt  }
0x61: {  	_ =	shalt  }
0x62: {  	_ =	shalt  }
0x63: {  	_ =	shalt  }
0x64: {  	_ =	shalt  }
0x65: {  	_ =	shalt  }
0x66: {  	_ =	shalt  }
0x67: {  	_ =	shalt  }
0x68: {  	_ =	shalt  }
0x69: {  	_ =	shalt  }
0x6a: {  	_ =	shalt  }
0x6b: {  	_ =	shalt  }
0x6c: {  	_ =	shalt  }
0x6d: {  	_ =	shalt  }
0x6e: {  	_ =	shalt  }
0x6f: {  	_ =	shalt  }
0x70: {  	_ =	shalt  }
0x71: {  	_ =	shalt  }
0x72: {  	_ =	shalt  }
0x73: {  	_ =	shalt  }
0x74: {  	_ =	shalt  }
0x75: {  	_ =	shalt  }
0x76: {  	_ =	shalt  }
0x77: {  	_ =	shalt  }
0x78: {  	_ =	shalt  }
0x79: {  	_ =	shalt  }
0x7a: {  	_ =	shalt  }
0x7b: {  	_ =	shalt  }
0x7c: {  	_ =	shalt  }
0x7d: {  	_ =	shalt  }
0x7e: {  	_ =	shalt  }
0x7f: {  	_ =	shalt  }
0x80: {  	_ =	shalt  }
0x81: {  	_ =	shalt  }
0x82: {  	_ =	shalt  }
0x83: {  	_ =	shalt  }
0x84: {  	_ =	shalt  }
0x85: {  	_ =	shalt  }
0x86: {  	_ =	shalt  }
0x87: {  	_ =	shalt  }
.Lfunc_end0:
.L_simem_size_0:
called_computation_lowered:
.L_overlay_start_0:
0x88: {  	s2 =	sld [smem:$0x3FD9]  }
0x89: {  	s3 =	sld [smem:$0x3FFE];
	_ =	sdelay $0x1  }
0x8a: {  	s1 =	srdreg.scid  }
0x8b: {  	s0 =	sand.u32 $0x1, s1  }
0x8c: {  	s17 =	sshll.u32 s0, $0xA;
	s2 =	sadd.s32 s3, s2  }
0x8d: {  	s2 =	sadd.s32 s2, s17  }
0x8e: {  	[smem:$0x3FC6] =	sst s2  }
0x8f: {  	_ = 	snop  }
0x90: {  	s2 =	sld [smem:$0x3FC9];
	(tm) =	ssettm $0x1  }
0x91: {  	s18 =	sld [smem:$0x3FFB];
	_ =	sdelay $0x3  }
0x92: {  	_ =	strace s18  }
0x93: {  	s3 =	sld [smem:$0x3FFC];
	_ =	sdelay $0x3  }
0x94: {  	_ =	strace s3  }
0x95: {  	s3 =	sld [smem:$0x3FFD];
	_ =	sdelay $0x3  }
0x96: {  	_ =	strace s3  }
0x97: {  	_ =	strace $0x8FFFFFFF  }
0x98: {  	s19 =	sld [smem:$0x3FDB];
	_ =	sdelay $0x1  }
0x99: {  	s4 =	simm.s32 $_scs_section_size  }
0x9a: {  	s5 =	simm.s32 $_size__tile_overlayer_lowered;
	s6 =	simm.s32 $_tile_overlayer_lowered  }
0x9b: {  	s22 =	simm.s32 $0x1BFF;
	s21 =	sshll.u32 s6, $0x1;
	s3 =	sadd.s32 s4, s19  }
0x9c: {  	s7 =	simm.s32 $0x0;
	s20 =	sshll.u32 s5, $0x1;
	s5 =	sadd.s32 s21, s3  }
0x9d: {  	[timem:s7], [sflag:s22] =	dma.local [hbm:s5], s20  }
0x9e: {  	_ =	swait.ge [sflag:s22], s20  }
0x9f: {  	s4 =	ssub.s32 $0x0, s20;
	[sflag:s22] =	ssyncset.done $0x0  }
0xa0: {  	[sflag:s22] =	ssyncadd.s32 s4;
	_ =	sdelay $0x1  }
0xa1: {  	s23 =	simm.s32 $0x1B8B  }
0xa2: {  	_ =	swait.ge [sflag:s23], $0x1  }
0xa3: {  	[sflag:s23] =	ssyncset.done $0x0  }
0xa4: {  	s25 =	simm.s32 $0x1B8E;
	s24 =	sld [smem:$0x3FFE];
	[sflag:s23] =	ssyncadd.s32 $0xFFFFFFFF  }
0xa5: {  	s26 =	simm.s32 $execute0_lowered;
	[smem:$0x3FD2] =	sst s25  }
0xa6: {  	s5 =	sshll.u32 s26, $0x1;
	_ =	strace $0x80000046;
	[dreg:$0x1] =	wrdreg $0xFFFFFFFF  }
0xa7: {  	s28 =	simm.s32 $_size_execute0_lowered;
	s3 =	sadd.s32 s3, s5;
	[dreg:$0x0] =	wrdreg $0x0  }
0xa8: {  	s5 =	sshll.u32 s28, $0x1;
	[dreg:$0x2] =	wrdreg s3  }
0xa9: {  	[dreg:$0x3] =	wrdreg s5  }
0xaa: {  	[dreg:$0x4] =	wrdreg $0xC0  }
0xab: {  	_ =	task [dreg:s7], $0x5FFFF  }
0xac: {  	[dreg:$0x1] =	wrdreg $0xFFFFFFFF  }
0xad: {  	[dreg:$0x0] =	wrdreg $0x60  }
0xae: {  	[dreg:$0x2] =	wrdreg s2  }
0xaf: {  	[dreg:$0x3] =	wrdreg s24  }
0xb0: {  	[dreg:$0x4] =	wrdreg $0x9  }
0xb1: {  	_ =	task.clear_ibuf [dreg:s7], $0x5FFFF;
	_ =	strace $0x90000046  }
0xb2: {  	s29 =	simm.s32 $0x9;
	_ =	strace $0x80000048  }
0xb3: {  	_ =	swait.ge [sflag:s29], $0x1  }
0xb4: {  	[sflag:s29] =	ssyncadd.s32 $0xFFFFFFFF  }
0xb5: {  	_ =	strace $0x90000048  }
0xb6: {  	_ =	sfence  }
0xb7: {  	s30 =	sld [smem:$0x0];
	_ =	sdelay $0x2  }
0xb8: {  	s31 =	sshll.u32 s1, $0xD;
	s1 =	sshrl.u32 s1, $0x2  }
0xb9: {  	s3 =	sand.u32 $0x4000, s31;
	s1 =	sadd.s32 s1, s30  }
0xba: {  	s0 =	sor.u32 s3, s0;
	s1 =	sshll.u32 s1, $0x11  }
0xbb: {  	s0 =	sor.u32 s1, s0  }
0xbc: {  	s0 =	sadd.s32 $0x8F2B, s0  }
0xbd: {  	[sflag:s0] =	ssyncadd.remote.s32 $0x1  }
0xbe: {  	_ =	sfence.sel $0xFFFF  }
0xbf: {  	[dreg:$0x0] =	wrdreg $0xFFFFFFFF;
	(pc) =	sbr.abs _section_cstart, $3  }
0xc0: {  	[dreg:$0x1] =	wrdreg $0xFFFFFFFF  }
0xc1: {  	_ =	task.clear_ibuf [dreg:s7], $0x2FFFF;
	_ =	strace $0x9FFFFFFF  }
0xc2: {  	(tm) =	ssettm $0x7FFFFFFF  }
0xc3: {  	_ =	shalt  }
tec
execute0_lowered:
.L_overlay_start_1:
0x0: {  	(tag) =	ssettag $0x1  }
0x1: {  	s8 =	rddreg [dreg:$0x0]  }
0x2: {  	s4 =	rddreg [dreg:$0x1]  }
0x3: {  	s0 =	rddreg [dreg:$0x2];
	s1 =	simm.s32 $0x0;
	s2 =	srdreg.scid  }
0x4: {  	s14 =	simm.s32 $0x3;
	s15 =	simm.s32 $0x200;
	s16 =	simm.s32 $0x400  }
0x5: {  	s17 =	simm.s32 $0x4000;
	s18 =	simm.s32 $0x8000;
	s19 =	simm.s32 $0x1  }
0x6: {  	s20 =	simm.s32 $0x2;
	s21 =	simm.s32 $0x0;
	[smem:$0x7FF] =	sst s1  }
0x7: {  	s5 =	sand.u32 $0x1, s2;
	s3 =	sadd.s32 $0x600, s4;
	s2 =	stileid.u32  }
0x8: {  	s6 =	ssub.s32 $0x2, s5;
	s9 =	sshll.u32 s2, $0xE;
	s5 =	sshll.u32 s5, $0xD  }
0x9: {  	s11 =	sadd.s32 $0x800, s4;
	s7 =	sshrl.u32 s6, $0x1;
	s31 =	sor.u32 s5, s9  }
0xa: {  	_ =	strace $0x80000047;
	s12 =	ssub.s32 s6, s7;
	s4 =	sadd.s32 s8, s31  }
0xb: {  	s9 =	sor.u32 $0x40, s31;
	s10 =	sor.u32 $0x1000, s31;
	s13 =	sor.u32 $0x1040, s31  }
0xc: {  	s7 =	sadd.s32 s11, s31;
	s5 =	sadd.s32 s8, s9;
	s6 =	sadd.s32 s8, s10  }
0xd: {  	s8 =	sadd.s32 s8, s13;
	s9 =	sadd.s32 s11, s9;
	s10 =	sadd.s32 s11, s10  }
0xe: {  	s11 =	sadd.s32 s11, s13;
	s12 =	smax.u32 s12, $0x1;
	s13 =	simm.s32 $0xC000  }
.LBB2_1:
0xf: {  	[tilespmem:s13], [sflag:$0x3] =	stream.linear.gather [hbm4b:s3+s1], $0x80, $0x38;
	[tilespmem:$0xC080] =	vst v63  }
0x10: {  	_ =	swait.ge [sflag:s14], $0x80  }
0x11: {  	[sflag:s14] =	ssyncset.done $0x0  }
0x12: {  	[sflag:s14] =	ssyncadd.s32 $0xFFFFFF80  }
0x13: {  	v0 =	vld [tilespmem:$0xC000];
	[tilespmem:s1], [sflag:$0x1] =	stream.strided.gather [hbm4b:s4+s15], $0x4000, s16, s15, $0x38  }
0x14: {  	_ = 	snop  }
0x15: {  	[tilespmem:s17], [sflag:$0x1] =	stream.strided.gather [hbm4b:s5+s15], $0x4000, s16, s15, $0x38;
	[tilespmem:$0xC080] =	vst v63  }
0x16: {  	_ = 	snop  }
0x17: {  	[tilespmem:s18], [sflag:$0x1] =	stream.strided.gather [hbm4b:s6+s15], $0x4000, s16, s15, $0x38;
	[tilespmem:$0xC080] =	vst v63  }
0x18: {  	_ =	swait.ge [sflag:s19], $0x4000  }
0x19: {  	[sflag:s19] =	ssyncset.done $0x0  }
0x1a: {  	s23 =	simm.s32 $0x40;
	[sflag:s19] =	ssyncadd.s32 $0xFFFFC000  }
0x1b: {  	v3 =	vld [tilespmem:s23+$0x30]  }
0x1c: {  	v5 =	vld [tilespmem:s23+$0xFFFFFFD0]  }
0x1d: {  	v7 =	vld [tilespmem:s23+$0xFFFFFFE0]  }
0x1e: {  	v4 =	vld [tilespmem:s23+$0xFFFFFFF0]  }
0x1f: {  	v2 =	vld [tilespmem:s23+$0x0]  }
0x20: {  	v1 =	vld [tilespmem:s23+$0x10];
	v8 =	vmul.f32 v3, v0  }
0x21: {  	v3 =	vld [tilespmem:s23+$0x20];
	v6 =	vmul.f32 v5, v0  }
0x22: {  	s24 =	simm.s32 $0x0;
	s25 =	simm.s32 $0x240;
	s22 =	simm.s32 $0xF0;
	v5 =	vld [tilespmem:s23+$0xFFFFFFC0];
	v7 =	vmul.f32 v7, v0;
	[tilespmem:s23+$0x30] =	vst v8  }
.LBB2_2:
0x23: {  	v8 =	vld [tilespmem:s25+$0x30];
	s24 =	sadd.s32 $0x80, s24;
	[tilespmem:s23+$0xFFFFFFD0] =	vst v6;
	v4 =	vmul.f32 v4, v0  }
0x24: {  	v6 =	vld [tilespmem:s25+$0xFFFFFFD0];
	p0 =	slt.u32 s24, $0xF80;
	[tilespmem:s23+$0xFFFFFFE0] =	vst v7;
	v2 =	vmul.f32 v2, v0  }
0x25: {  	v7 =	vld [tilespmem:s25+$0xFFFFFFE0];
	[tilespmem:s23+$0xFFFFFFF0] =	vst v4;
	v1 =	vmul.f32 v1, v0  }
.Ltmp0:
0x26: {  	v4 =	vld [tilespmem:s25+$0xFFFFFFF0];
	[tilespmem:s23+$0x0] =	vst v2;
	v3 =	vmul.f32 v3, v0;
	(pc) =	sbr.rel @p0 .LBB2_2-.Ltmp0, $4  }
0x27: {  	v2 =	vld [tilespmem:s25+$0x0];
	v5 =	vmul.f32 v5, v0;
	[tilespmem:s23+$0x10] =	vst v1  }
0x28: {  	v1 =	vld [tilespmem:s25+$0x10];
	v8 =	vmul.f32 v8, v0;
	[tilespmem:s23+$0x20] =	vst v3  }
0x29: {  	v6 =	vmul.f32 v6, v0;
	v3 =	vld [tilespmem:s25+$0x20];
	[tilespmem:s23+$0xFFFFFFC0] =	vst v5;
	s23 =	smov.u32 s25  }
0x2a: {  	s25 =	sadd.s32 $0x200, s25;
	v5 =	vld [tilespmem:s23+$0xFFFFFFC0];
	v7 =	vmul.f32 v7, v0;
	[tilespmem:s23+$0x30] =	vst v8  }
0x2b: {  	[tilespmem:s23+$0xFFFFFFD0] =	vst v6;
	v4 =	vmul.f32 v4, v0  }
0x2c: {  	[tilespmem:s23+$0xFFFFFFE0] =	vst v7;
	v2 =	vmul.f32 v2, v0  }
0x2d: {  	[tilespmem:s23+$0xFFFFFFF0] =	vst v4;
	v1 =	vmul.f32 v1, v0  }
0x2e: {  	[tilespmem:s23+$0x0] =	vst v2;
	v2 =	vmul.f32 v3, v0  }
0x2f: {  	v3 =	vmul.f32 v5, v0;
	[tilespmem:s23+$0x10] =	vst v1  }
0x30: {  	[tilespmem:s23+$0x20] =	vst v2  }
0x31: {  	[tilespmem:s23+$0xFFFFFFC0] =	vst v3  }
0x32: {  	v3 =	vld [tilespmem:s22+$0x0]  }
0x33: {  	v5 =	vld [tilespmem:s22+$0xFFFFFFA0]  }
0x34: {  	v7 =	vld [tilespmem:s22+$0xFFFFFFB0]  }
0x35: {  	v4 =	vld [tilespmem:s22+$0xFFFFFFC0]  }
0x36: {  	v2 =	vld [tilespmem:s22+$0xFFFFFFD0]  }
0x37: {  	v1 =	vld [tilespmem:s22+$0xFFFFFFE0];
	v8 =	vmul.f32 v3, v0  }
0x38: {  	v3 =	vld [tilespmem:s22+$0xFFFFFFF0];
	v6 =	vmul.f32 v5, v0  }
0x39: {  	s24 =	simm.s32 $0x0;
	s25 =	simm.s32 $0x2F0;
	s23 =	simm.s32 $0x170;
	v5 =	vld [tilespmem:s22+$0xFFFFFF90];
	v7 =	vmul.f32 v7, v0;
	[tilespmem:s22+$0x0] =	vst v8  }
.LBB2_4:
0x3a: {  	v8 =	vld [tilespmem:s25+$0x0];
	s24 =	sadd.s32 $0x80, s24;
	[tilespmem:s22+$0xFFFFFFA0] =	vst v6;
	v4 =	vmul.f32 v4, v0  }
0x3b: {  	v6 =	vld [tilespmem:s25+$0xFFFFFFA0];
	p0 =	slt.u32 s24, $0xF80;
	[tilespmem:s22+$0xFFFFFFB0] =	vst v7;
	v2 =	vmul.f32 v2, v0  }
0x3c: {  	v7 =	vld [tilespmem:s25+$0xFFFFFFB0];
	[tilespmem:s22+$0xFFFFFFC0] =	vst v4;
	v1 =	vmul.f32 v1, v0  }
.Ltmp1:
0x3d: {  	v4 =	vld [tilespmem:s25+$0xFFFFFFC0];
	[tilespmem:s22+$0xFFFFFFD0] =	vst v2;
	v3 =	vmul.f32 v3, v0;
	(pc) =	sbr.rel @p0 .LBB2_4-.Ltmp1, $4  }
0x3e: {  	v2 =	vld [tilespmem:s25+$0xFFFFFFD0];
	v5 =	vmul.f32 v5, v0;
	[tilespmem:s22+$0xFFFFFFE0] =	vst v1  }
0x3f: {  	v1 =	vld [tilespmem:s25+$0xFFFFFFE0];
	v8 =	vmul.f32 v8, v0;
	[tilespmem:s22+$0xFFFFFFF0] =	vst v3  }
0x40: {  	v6 =	vmul.f32 v6, v0;
	v3 =	vld [tilespmem:s25+$0xFFFFFFF0];
	[tilespmem:s22+$0xFFFFFF90] =	vst v5;
	s22 =	smov.u32 s25  }
0x41: {  	s25 =	sadd.s32 $0x200, s25;
	v5 =	vld [tilespmem:s22+$0xFFFFFF90];
	v7 =	vmul.f32 v7, v0;
	[tilespmem:s22+$0x0] =	vst v8  }
0x42: {  	[tilespmem:s22+$0xFFFFFFA0] =	vst v6;
	v4 =	vmul.f32 v4, v0  }
0x43: {  	[tilespmem:s22+$0xFFFFFFB0] =	vst v7;
	v2 =	vmul.f32 v2, v0  }
0x44: {  	[tilespmem:s22+$0xFFFFFFC0] =	vst v4;
	v1 =	vmul.f32 v1, v0  }
0x45: {  	[tilespmem:s22+$0xFFFFFFD0] =	vst v2;
	v2 =	vmul.f32 v3, v0  }
0x46: {  	v3 =	vmul.f32 v5, v0;
	[tilespmem:s22+$0xFFFFFFE0] =	vst v1  }
0x47: {  	[tilespmem:s22+$0xFFFFFFF0] =	vst v2  }
0x48: {  	[tilespmem:s22+$0xFFFFFF90] =	vst v3  }
0x49: {  	v3 =	vld [tilespmem:s23+$0x0]  }
0x4a: {  	v5 =	vld [tilespmem:s23+$0xFFFFFFA0]  }
0x4b: {  	v7 =	vld [tilespmem:s23+$0xFFFFFFB0]  }
0x4c: {  	v4 =	vld [tilespmem:s23+$0xFFFFFFC0]  }
0x4d: {  	v2 =	vld [tilespmem:s23+$0xFFFFFFD0]  }
0x4e: {  	v1 =	vld [tilespmem:s23+$0xFFFFFFE0];
	v8 =	vmul.f32 v3, v0  }
0x4f: {  	v3 =	vld [tilespmem:s23+$0xFFFFFFF0];
	v6 =	vmul.f32 v5, v0  }
0x50: {  	s24 =	simm.s32 $0x0;
	s25 =	simm.s32 $0x370;
	s22 =	simm.s32 $0x1F0;
	v5 =	vld [tilespmem:s23+$0xFFFFFF90];
	v7 =	vmul.f32 v7, v0;
	[tilespmem:s23+$0x0] =	vst v8  }
.LBB2_6:
0x51: {  	v8 =	vld [tilespmem:s25+$0x0];
	s24 =	sadd.s32 $0x80, s24;
	[tilespmem:s23+$0xFFFFFFA0] =	vst v6;
	v4 =	vmul.f32 v4, v0  }
0x52: {  	v6 =	vld [tilespmem:s25+$0xFFFFFFA0];
	p0 =	slt.u32 s24, $0xF80;
	[tilespmem:s23+$0xFFFFFFB0] =	vst v7;
	v2 =	vmul.f32 v2, v0  }
0x53: {  	v7 =	vld [tilespmem:s25+$0xFFFFFFB0];
	[tilespmem:s23+$0xFFFFFFC0] =	vst v4;
	v1 =	vmul.f32 v1, v0  }
.Ltmp2:
0x54: {  	v4 =	vld [tilespmem:s25+$0xFFFFFFC0];
	[tilespmem:s23+$0xFFFFFFD0] =	vst v2;
	v3 =	vmul.f32 v3, v0;
	(pc) =	sbr.rel @p0 .LBB2_6-.Ltmp2, $4  }
0x55: {  	v2 =	vld [tilespmem:s25+$0xFFFFFFD0];
	v5 =	vmul.f32 v5, v0;
	[tilespmem:s23+$0xFFFFFFE0] =	vst v1  }
0x56: {  	v1 =	vld [tilespmem:s25+$0xFFFFFFE0];
	v8 =	vmul.f32 v8, v0;
	[tilespmem:s23+$0xFFFFFFF0] =	vst v3  }
0x57: {  	v6 =	vmul.f32 v6, v0;
	v3 =	vld [tilespmem:s25+$0xFFFFFFF0];
	[tilespmem:s23+$0xFFFFFF90] =	vst v5;
	s23 =	smov.u32 s25  }
0x58: {  	s25 =	sadd.s32 $0x200, s25;
	v5 =	vld [tilespmem:s23+$0xFFFFFF90];
	v7 =	vmul.f32 v7, v0;
	[tilespmem:s23+$0x0] =	vst v8  }
0x59: {  	[tilespmem:s23+$0xFFFFFFA0] =	vst v6;
	v4 =	vmul.f32 v4, v0  }
0x5a: {  	[tilespmem:s23+$0xFFFFFFB0] =	vst v7;
	v2 =	vmul.f32 v2, v0  }
0x5b: {  	[tilespmem:s23+$0xFFFFFFC0] =	vst v4;
	v1 =	vmul.f32 v1, v0  }
0x5c: {  	[tilespmem:s23+$0xFFFFFFD0] =	vst v2;
	v2 =	vmul.f32 v3, v0  }
0x5d: {  	v3 =	vmul.f32 v5, v0;
	[tilespmem:s23+$0xFFFFFFE0] =	vst v1  }
0x5e: {  	[tilespmem:s23+$0xFFFFFFF0] =	vst v2  }
0x5f: {  	[tilespmem:s23+$0xFFFFFF90] =	vst v3  }
0x60: {  	v3 =	vld [tilespmem:s22+$0x0]  }
0x61: {  	v5 =	vld [tilespmem:s22+$0xFFFFFFA0]  }
0x62: {  	v7 =	vld [tilespmem:s22+$0xFFFFFFB0]  }
0x63: {  	v4 =	vld [tilespmem:s22+$0xFFFFFFC0]  }
0x64: {  	v2 =	vld [tilespmem:s22+$0xFFFFFFD0]  }
0x65: {  	v1 =	vld [tilespmem:s22+$0xFFFFFFE0];
	v8 =	vmul.f32 v3, v0  }
0x66: {  	v3 =	vld [tilespmem:s22+$0xFFFFFFF0];
	v6 =	vmul.f32 v5, v0  }
0x67: {  	s24 =	simm.s32 $0x3F0;
	s23 =	simm.s32 $0x0;
	v5 =	vld [tilespmem:s22+$0xFFFFFF90];
	v7 =	vmul.f32 v7, v0;
	[tilespmem:s22+$0x0] =	vst v8  }
.LBB2_8:
0x68: {  	v8 =	vld [tilespmem:s24+$0x0];
	s23 =	sadd.s32 $0x80, s23;
	[tilespmem:s22+$0xFFFFFFA0] =	vst v6;
	v4 =	vmul.f32 v4, v0  }
0x69: {  	v6 =	vld [tilespmem:s24+$0xFFFFFFA0];
	p0 =	slt.u32 s23, $0xF80;
	[tilespmem:s22+$0xFFFFFFB0] =	vst v7;
	v2 =	vmul.f32 v2, v0  }
0x6a: {  	v7 =	vld [tilespmem:s24+$0xFFFFFFB0];
	[tilespmem:s22+$0xFFFFFFC0] =	vst v4;
	v1 =	vmul.f32 v1, v0  }
.Ltmp3:
0x6b: {  	v4 =	vld [tilespmem:s24+$0xFFFFFFC0];
	[tilespmem:s22+$0xFFFFFFD0] =	vst v2;
	v3 =	vmul.f32 v3, v0;
	(pc) =	sbr.rel @p0 .LBB2_8-.Ltmp3, $4  }
0x6c: {  	v2 =	vld [tilespmem:s24+$0xFFFFFFD0];
	v5 =	vmul.f32 v5, v0;
	[tilespmem:s22+$0xFFFFFFE0] =	vst v1  }
0x6d: {  	v1 =	vld [tilespmem:s24+$0xFFFFFFE0];
	v8 =	vmul.f32 v8, v0;
	[tilespmem:s22+$0xFFFFFFF0] =	vst v3  }
0x6e: {  	v6 =	vmul.f32 v6, v0;
	v3 =	vld [tilespmem:s24+$0xFFFFFFF0];
	[tilespmem:s22+$0xFFFFFF90] =	vst v5;
	s22 =	smov.u32 s24  }
0x6f: {  	s24 =	sadd.s32 $0x200, s24;
	v5 =	vld [tilespmem:s22+$0xFFFFFF90];
	v7 =	vmul.f32 v7, v0;
	[tilespmem:s22+$0x0] =	vst v8  }
0x70: {  	[tilespmem:s22+$0xFFFFFFA0] =	vst v6;
	v4 =	vmul.f32 v4, v0  }
0x71: {  	[tilespmem:s22+$0xFFFFFFB0] =	vst v7;
	v2 =	vmul.f32 v2, v0  }
0x72: {  	[tilespmem:s22+$0xFFFFFFC0] =	vst v4;
	v1 =	vmul.f32 v1, v0  }
0x73: {  	[tilespmem:s22+$0xFFFFFFD0] =	vst v2;
	v2 =	vmul.f32 v3, v0  }
0x74: {  	v3 =	vmul.f32 v5, v0;
	[tilespmem:s22+$0xFFFFFFE0] =	vst v1  }
0x75: {  	[tilespmem:s22+$0xFFFFFFF0] =	vst v2  }
0x76: {  	[tilespmem:s22+$0xFFFFFF90] =	vst v3  }
0x77: {  	[hbm4b:s7+s15] =	stream.strided.scatter [tilespmem:s1], [sflag:$0x2], $0x4000, s16, s15, $0x38;
	[tilespmem:$0xC080] =	vst v63  }
0x78: {  	_ =	swait.ge [sflag:s20], $0x4000  }
0x79: {  	[sflag:s20] =	ssyncset.done $0x0  }
0x7a: {  	[sflag:s20] =	ssyncadd.s32 $0xFFFFC000  }
0x7b: {  	[tilespmem:s1], [sflag:$0x1] =	stream.strided.gather [hbm4b:s8+s15], $0x4000, s16, s15, $0x38;
	[tilespmem:$0xC080] =	vst v63  }
0x7c: {  	_ =	swait.ge [sflag:s19], $0x4000  }
0x7d: {  	[sflag:s19] =	ssyncset.done $0x0  }
0x7e: {  	s23 =	simm.s32 $0x4040;
	[sflag:s19] =	ssyncadd.s32 $0xFFFFC000  }
0x7f: {  	v3 =	vld [tilespmem:s23+$0x30]  }
0x80: {  	v5 =	vld [tilespmem:s23+$0xFFFFFFD0]  }
0x81: {  	v7 =	vld [tilespmem:s23+$0xFFFFFFE0]  }
0x82: {  	v4 =	vld [tilespmem:s23+$0xFFFFFFF0]  }
0x83: {  	v2 =	vld [tilespmem:s23+$0x0]  }
0x84: {  	v1 =	vld [tilespmem:s23+$0x10];
	v8 =	vmul.f32 v3, v0  }
0x85: {  	v3 =	vld [tilespmem:s23+$0x20];
	v6 =	vmul.f32 v5, v0  }
0x86: {  	s24 =	simm.s32 $0x0;
	s25 =	simm.s32 $0x4240;
	s22 =	simm.s32 $0x40F0;
	v5 =	vld [tilespmem:s23+$0xFFFFFFC0];
	v7 =	vmul.f32 v7, v0;
	[tilespmem:s23+$0x30] =	vst v8  }
.LBB2_10:
0x87: {  	v8 =	vld [tilespmem:s25+$0x30];
	s24 =	sadd.s32 $0x80, s24;
	[tilespmem:s23+$0xFFFFFFD0] =	vst v6;
	v4 =	vmul.f32 v4, v0  }
0x88: {  	v6 =	vld [tilespmem:s25+$0xFFFFFFD0];
	p0 =	slt.u32 s24, $0xF80;
	[tilespmem:s23+$0xFFFFFFE0] =	vst v7;
	v2 =	vmul.f32 v2, v0  }
0x89: {  	v7 =	vld [tilespmem:s25+$0xFFFFFFE0];
	[tilespmem:s23+$0xFFFFFFF0] =	vst v4;
	v1 =	vmul.f32 v1, v0  }
.Ltmp4:
0x8a: {  	v4 =	vld [tilespmem:s25+$0xFFFFFFF0];
	[tilespmem:s23+$0x0] =	vst v2;
	v3 =	vmul.f32 v3, v0;
	(pc) =	sbr.rel @p0 .LBB2_10-.Ltmp4, $4  }
0x8b: {  	v2 =	vld [tilespmem:s25+$0x0];
	v5 =	vmul.f32 v5, v0;
	[tilespmem:s23+$0x10] =	vst v1  }
0x8c: {  	v1 =	vld [tilespmem:s25+$0x10];
	v8 =	vmul.f32 v8, v0;
	[tilespmem:s23+$0x20] =	vst v3  }
0x8d: {  	v6 =	vmul.f32 v6, v0;
	v3 =	vld [tilespmem:s25+$0x20];
	[tilespmem:s23+$0xFFFFFFC0] =	vst v5;
	s23 =	smov.u32 s25  }
0x8e: {  	s25 =	sadd.s32 $0x200, s25;
	v5 =	vld [tilespmem:s23+$0xFFFFFFC0];
	v7 =	vmul.f32 v7, v0;
	[tilespmem:s23+$0x30] =	vst v8  }
0x8f: {  	[tilespmem:s23+$0xFFFFFFD0] =	vst v6;
	v4 =	vmul.f32 v4, v0  }
0x90: {  	[tilespmem:s23+$0xFFFFFFE0] =	vst v7;
	v2 =	vmul.f32 v2, v0  }
0x91: {  	[tilespmem:s23+$0xFFFFFFF0] =	vst v4;
	v1 =	vmul.f32 v1, v0  }
0x92: {  	[tilespmem:s23+$0x0] =	vst v2;
	v2 =	vmul.f32 v3, v0  }
0x93: {  	v3 =	vmul.f32 v5, v0;
	[tilespmem:s23+$0x10] =	vst v1  }
0x94: {  	[tilespmem:s23+$0x20] =	vst v2  }
0x95: {  	[tilespmem:s23+$0xFFFFFFC0] =	vst v3  }
0x96: {  	v3 =	vld [tilespmem:s22+$0x0]  }
0x97: {  	v5 =	vld [tilespmem:s22+$0xFFFFFFA0]  }
0x98: {  	v7 =	vld [tilespmem:s22+$0xFFFFFFB0]  }
0x99: {  	v4 =	vld [tilespmem:s22+$0xFFFFFFC0]  }
0x9a: {  	v2 =	vld [tilespmem:s22+$0xFFFFFFD0]  }
0x9b: {  	v1 =	vld [tilespmem:s22+$0xFFFFFFE0];
	v8 =	vmul.f32 v3, v0  }
0x9c: {  	v3 =	vld [tilespmem:s22+$0xFFFFFFF0];
	v6 =	vmul.f32 v5, v0  }
0x9d: {  	s24 =	simm.s32 $0x0;
	s25 =	simm.s32 $0x42F0;
	s23 =	simm.s32 $0x4170;
	v5 =	vld [tilespmem:s22+$0xFFFFFF90];
	v7 =	vmul.f32 v7, v0;
	[tilespmem:s22+$0x0] =	vst v8  }
.LBB2_12:
0x9e: {  	v8 =	vld [tilespmem:s25+$0x0];
	s24 =	sadd.s32 $0x80, s24;
	[tilespmem:s22+$0xFFFFFFA0] =	vst v6;
	v4 =	vmul.f32 v4, v0  }
0x9f: {  	v6 =	vld [tilespmem:s25+$0xFFFFFFA0];
	p0 =	slt.u32 s24, $0xF80;
	[tilespmem:s22+$0xFFFFFFB0] =	vst v7;
	v2 =	vmul.f32 v2, v0  }
0xa0: {  	v7 =	vld [tilespmem:s25+$0xFFFFFFB0];
	[tilespmem:s22+$0xFFFFFFC0] =	vst v4;
	v1 =	vmul.f32 v1, v0  }
.Ltmp5:
0xa1: {  	v4 =	vld [tilespmem:s25+$0xFFFFFFC0];
	[tilespmem:s22+$0xFFFFFFD0] =	vst v2;
	v3 =	vmul.f32 v3, v0;
	(pc) =	sbr.rel @p0 .LBB2_12-.Ltmp5, $4  }
0xa2: {  	v2 =	vld [tilespmem:s25+$0xFFFFFFD0];
	v5 =	vmul.f32 v5, v0;
	[tilespmem:s22+$0xFFFFFFE0] =	vst v1  }
0xa3: {  	v1 =	vld [tilespmem:s25+$0xFFFFFFE0];
	v8 =	vmul.f32 v8, v0;
	[tilespmem:s22+$0xFFFFFFF0] =	vst v3  }
0xa4: {  	v6 =	vmul.f32 v6, v0;
	v3 =	vld [tilespmem:s25+$0xFFFFFFF0];
	[tilespmem:s22+$0xFFFFFF90] =	vst v5;
	s22 =	smov.u32 s25  }
0xa5: {  	s25 =	sadd.s32 $0x200, s25;
	v5 =	vld [tilespmem:s22+$0xFFFFFF90];
	v7 =	vmul.f32 v7, v0;
	[tilespmem:s22+$0x0] =	vst v8  }
0xa6: {  	[tilespmem:s22+$0xFFFFFFA0] =	vst v6;
	v4 =	vmul.f32 v4, v0  }
0xa7: {  	[tilespmem:s22+$0xFFFFFFB0] =	vst v7;
	v2 =	vmul.f32 v2, v0  }
0xa8: {  	[tilespmem:s22+$0xFFFFFFC0] =	vst v4;
	v1 =	vmul.f32 v1, v0  }
0xa9: {  	[tilespmem:s22+$0xFFFFFFD0] =	vst v2;
	v2 =	vmul.f32 v3, v0  }
0xaa: {  	v3 =	vmul.f32 v5, v0;
	[tilespmem:s22+$0xFFFFFFE0] =	vst v1  }
0xab: {  	[tilespmem:s22+$0xFFFFFFF0] =	vst v2  }
0xac: {  	[tilespmem:s22+$0xFFFFFF90] =	vst v3  }
0xad: {  	v3 =	vld [tilespmem:s23+$0x0]  }
0xae: {  	v5 =	vld [tilespmem:s23+$0xFFFFFFA0]  }
0xaf: {  	v7 =	vld [tilespmem:s23+$0xFFFFFFB0]  }
0xb0: {  	v4 =	vld [tilespmem:s23+$0xFFFFFFC0]  }
0xb1: {  	v2 =	vld [tilespmem:s23+$0xFFFFFFD0]  }
0xb2: {  	v1 =	vld [tilespmem:s23+$0xFFFFFFE0];
	v8 =	vmul.f32 v3, v0  }
0xb3: {  	v3 =	vld [tilespmem:s23+$0xFFFFFFF0];
	v6 =	vmul.f32 v5, v0  }
0xb4: {  	s24 =	simm.s32 $0x0;
	s25 =	simm.s32 $0x4370;
	s22 =	simm.s32 $0x41F0;
	v5 =	vld [tilespmem:s23+$0xFFFFFF90];
	v7 =	vmul.f32 v7, v0;
	[tilespmem:s23+$0x0] =	vst v8  }
.LBB2_14:
0xb5: {  	v8 =	vld [tilespmem:s25+$0x0];
	s24 =	sadd.s32 $0x80, s24;
	[tilespmem:s23+$0xFFFFFFA0] =	vst v6;
	v4 =	vmul.f32 v4, v0  }
0xb6: {  	v6 =	vld [tilespmem:s25+$0xFFFFFFA0];
	p0 =	slt.u32 s24, $0xF80;
	[tilespmem:s23+$0xFFFFFFB0] =	vst v7;
	v2 =	vmul.f32 v2, v0  }
0xb7: {  	v7 =	vld [tilespmem:s25+$0xFFFFFFB0];
	[tilespmem:s23+$0xFFFFFFC0] =	vst v4;
	v1 =	vmul.f32 v1, v0  }
.Ltmp6:
0xb8: {  	v4 =	vld [tilespmem:s25+$0xFFFFFFC0];
	[tilespmem:s23+$0xFFFFFFD0] =	vst v2;
	v3 =	vmul.f32 v3, v0;
	(pc) =	sbr.rel @p0 .LBB2_14-.Ltmp6, $4  }
0xb9: {  	v2 =	vld [tilespmem:s25+$0xFFFFFFD0];
	v5 =	vmul.f32 v5, v0;
	[tilespmem:s23+$0xFFFFFFE0] =	vst v1  }
0xba: {  	v1 =	vld [tilespmem:s25+$0xFFFFFFE0];
	v8 =	vmul.f32 v8, v0;
	[tilespmem:s23+$0xFFFFFFF0] =	vst v3  }
0xbb: {  	v6 =	vmul.f32 v6, v0;
	v3 =	vld [tilespmem:s25+$0xFFFFFFF0];
	[tilespmem:s23+$0xFFFFFF90] =	vst v5;
	s23 =	smov.u32 s25  }
0xbc: {  	s25 =	sadd.s32 $0x200, s25;
	v5 =	vld [tilespmem:s23+$0xFFFFFF90];
	v7 =	vmul.f32 v7, v0;
	[tilespmem:s23+$0x0] =	vst v8  }
0xbd: {  	[tilespmem:s23+$0xFFFFFFA0] =	vst v6;
	v4 =	vmul.f32 v4, v0  }
0xbe: {  	[tilespmem:s23+$0xFFFFFFB0] =	vst v7;
	v2 =	vmul.f32 v2, v0  }
0xbf: {  	[tilespmem:s23+$0xFFFFFFC0] =	vst v4;
	v1 =	vmul.f32 v1, v0  }
0xc0: {  	[tilespmem:s23+$0xFFFFFFD0] =	vst v2;
	v2 =	vmul.f32 v3, v0  }
0xc1: {  	v3 =	vmul.f32 v5, v0;
	[tilespmem:s23+$0xFFFFFFE0] =	vst v1  }
0xc2: {  	[tilespmem:s23+$0xFFFFFFF0] =	vst v2  }
0xc3: {  	[tilespmem:s23+$0xFFFFFF90] =	vst v3  }
0xc4: {  	v3 =	vld [tilespmem:s22+$0x0]  }
0xc5: {  	v5 =	vld [tilespmem:s22+$0xFFFFFFA0]  }
0xc6: {  	v7 =	vld [tilespmem:s22+$0xFFFFFFB0]  }
0xc7: {  	v4 =	vld [tilespmem:s22+$0xFFFFFFC0]  }
0xc8: {  	v2 =	vld [tilespmem:s22+$0xFFFFFFD0]  }
0xc9: {  	v1 =	vld [tilespmem:s22+$0xFFFFFFE0];
	v8 =	vmul.f32 v3, v0  }
0xca: {  	v3 =	vld [tilespmem:s22+$0xFFFFFFF0];
	v6 =	vmul.f32 v5, v0  }
0xcb: {  	s24 =	simm.s32 $0x43F0;
	s23 =	simm.s32 $0x0;
	v5 =	vld [tilespmem:s22+$0xFFFFFF90];
	v7 =	vmul.f32 v7, v0;
	[tilespmem:s22+$0x0] =	vst v8  }
.LBB2_16:
0xcc: {  	v8 =	vld [tilespmem:s24+$0x0];
	s23 =	sadd.s32 $0x80, s23;
	[tilespmem:s22+$0xFFFFFFA0] =	vst v6;
	v4 =	vmul.f32 v4, v0  }
0xcd: {  	v6 =	vld [tilespmem:s24+$0xFFFFFFA0];
	p0 =	slt.u32 s23, $0xF80;
	[tilespmem:s22+$0xFFFFFFB0] =	vst v7;
	v2 =	vmul.f32 v2, v0  }
0xce: {  	v7 =	vld [tilespmem:s24+$0xFFFFFFB0];
	[tilespmem:s22+$0xFFFFFFC0] =	vst v4;
	v1 =	vmul.f32 v1, v0  }
.Ltmp7:
0xcf: {  	v4 =	vld [tilespmem:s24+$0xFFFFFFC0];
	[tilespmem:s22+$0xFFFFFFD0] =	vst v2;
	v3 =	vmul.f32 v3, v0;
	(pc) =	sbr.rel @p0 .LBB2_16-.Ltmp7, $4  }
0xd0: {  	v2 =	vld [tilespmem:s24+$0xFFFFFFD0];
	v5 =	vmul.f32 v5, v0;
	[tilespmem:s22+$0xFFFFFFE0] =	vst v1  }
0xd1: {  	v1 =	vld [tilespmem:s24+$0xFFFFFFE0];
	v8 =	vmul.f32 v8, v0;
	[tilespmem:s22+$0xFFFFFFF0] =	vst v3  }
0xd2: {  	v6 =	vmul.f32 v6, v0;
	v3 =	vld [tilespmem:s24+$0xFFFFFFF0];
	[tilespmem:s22+$0xFFFFFF90] =	vst v5;
	s22 =	smov.u32 s24  }
0xd3: {  	s24 =	sadd.s32 $0x200, s24;
	v5 =	vld [tilespmem:s22+$0xFFFFFF90];
	v7 =	vmul.f32 v7, v0;
	[tilespmem:s22+$0x0] =	vst v8  }
0xd4: {  	[tilespmem:s22+$0xFFFFFFA0] =	vst v6;
	v4 =	vmul.f32 v4, v0  }
0xd5: {  	[tilespmem:s22+$0xFFFFFFB0] =	vst v7;
	v2 =	vmul.f32 v2, v0  }
0xd6: {  	[tilespmem:s22+$0xFFFFFFC0] =	vst v4;
	v1 =	vmul.f32 v1, v0  }
0xd7: {  	[tilespmem:s22+$0xFFFFFFD0] =	vst v2;
	v2 =	vmul.f32 v3, v0  }
0xd8: {  	v3 =	vmul.f32 v5, v0;
	[tilespmem:s22+$0xFFFFFFE0] =	vst v1  }
0xd9: {  	[tilespmem:s22+$0xFFFFFFF0] =	vst v2  }
0xda: {  	[tilespmem:s22+$0xFFFFFF90] =	vst v3  }
0xdb: {  	[hbm4b:s9+s15] =	stream.strided.scatter [tilespmem:s17], [sflag:$0x2], $0x4000, s16, s15, $0x38;
	[tilespmem:$0xC080] =	vst v63  }
0xdc: {  	_ =	swait.ge [sflag:s19], $0x4000  }
0xdd: {  	[sflag:s19] =	ssyncset.done $0x0  }
0xde: {  	s23 =	simm.s32 $0x8040;
	[sflag:s19] =	ssyncadd.s32 $0xFFFFC000  }
0xdf: {  	v3 =	vld [tilespmem:s23+$0x30]  }
0xe0: {  	v5 =	vld [tilespmem:s23+$0xFFFFFFD0]  }
0xe1: {  	v7 =	vld [tilespmem:s23+$0xFFFFFFE0]  }
0xe2: {  	v4 =	vld [tilespmem:s23+$0xFFFFFFF0]  }
0xe3: {  	v2 =	vld [tilespmem:s23+$0x0]  }
0xe4: {  	v1 =	vld [tilespmem:s23+$0x10];
	v8 =	vmul.f32 v3, v0  }
0xe5: {  	v3 =	vld [tilespmem:s23+$0x20];
	v6 =	vmul.f32 v5, v0  }
0xe6: {  	s24 =	simm.s32 $0x0;
	s25 =	simm.s32 $0x8240;
	s22 =	simm.s32 $0x80F0;
	v5 =	vld [tilespmem:s23+$0xFFFFFFC0];
	v7 =	vmul.f32 v7, v0;
	[tilespmem:s23+$0x30] =	vst v8  }
.LBB2_18:
0xe7: {  	v8 =	vld [tilespmem:s25+$0x30];
	s24 =	sadd.s32 $0x80, s24;
	[tilespmem:s23+$0xFFFFFFD0] =	vst v6;
	v4 =	vmul.f32 v4, v0  }
0xe8: {  	v6 =	vld [tilespmem:s25+$0xFFFFFFD0];
	p0 =	slt.u32 s24, $0xF80;
	[tilespmem:s23+$0xFFFFFFE0] =	vst v7;
	v2 =	vmul.f32 v2, v0  }
0xe9: {  	v7 =	vld [tilespmem:s25+$0xFFFFFFE0];
	[tilespmem:s23+$0xFFFFFFF0] =	vst v4;
	v1 =	vmul.f32 v1, v0  }
.Ltmp8:
0xea: {  	v4 =	vld [tilespmem:s25+$0xFFFFFFF0];
	[tilespmem:s23+$0x0] =	vst v2;
	v3 =	vmul.f32 v3, v0;
	(pc) =	sbr.rel @p0 .LBB2_18-.Ltmp8, $4  }
0xeb: {  	v2 =	vld [tilespmem:s25+$0x0];
	v5 =	vmul.f32 v5, v0;
	[tilespmem:s23+$0x10] =	vst v1  }
0xec: {  	v1 =	vld [tilespmem:s25+$0x10];
	v8 =	vmul.f32 v8, v0;
	[tilespmem:s23+$0x20] =	vst v3  }
0xed: {  	v6 =	vmul.f32 v6, v0;
	v3 =	vld [tilespmem:s25+$0x20];
	[tilespmem:s23+$0xFFFFFFC0] =	vst v5;
	s23 =	smov.u32 s25  }
0xee: {  	s25 =	sadd.s32 $0x200, s25;
	v5 =	vld [tilespmem:s23+$0xFFFFFFC0];
	v7 =	vmul.f32 v7, v0;
	[tilespmem:s23+$0x30] =	vst v8  }
0xef: {  	[tilespmem:s23+$0xFFFFFFD0] =	vst v6;
	v4 =	vmul.f32 v4, v0  }
0xf0: {  	[tilespmem:s23+$0xFFFFFFE0] =	vst v7;
	v2 =	vmul.f32 v2, v0  }
0xf1: {  	[tilespmem:s23+$0xFFFFFFF0] =	vst v4;
	v1 =	vmul.f32 v1, v0  }
0xf2: {  	[tilespmem:s23+$0x0] =	vst v2;
	v2 =	vmul.f32 v3, v0  }
0xf3: {  	v3 =	vmul.f32 v5, v0;
	[tilespmem:s23+$0x10] =	vst v1  }
0xf4: {  	[tilespmem:s23+$0x20] =	vst v2  }
0xf5: {  	[tilespmem:s23+$0xFFFFFFC0] =	vst v3  }
0xf6: {  	v3 =	vld [tilespmem:s22+$0x0]  }
0xf7: {  	v5 =	vld [tilespmem:s22+$0xFFFFFFA0]  }
0xf8: {  	v7 =	vld [tilespmem:s22+$0xFFFFFFB0]  }
0xf9: {  	v4 =	vld [tilespmem:s22+$0xFFFFFFC0]  }
0xfa: {  	v2 =	vld [tilespmem:s22+$0xFFFFFFD0]  }
0xfb: {  	v1 =	vld [tilespmem:s22+$0xFFFFFFE0];
	v8 =	vmul.f32 v3, v0  }
0xfc: {  	v3 =	vld [tilespmem:s22+$0xFFFFFFF0];
	v6 =	vmul.f32 v5, v0  }
0xfd: {  	s24 =	simm.s32 $0x0;
	s25 =	simm.s32 $0x82F0;
	s23 =	simm.s32 $0x8170;
	v5 =	vld [tilespmem:s22+$0xFFFFFF90];
	v7 =	vmul.f32 v7, v0;
	[tilespmem:s22+$0x0] =	vst v8  }
.LBB2_20:
0xfe: {  	v8 =	vld [tilespmem:s25+$0x0];
	s24 =	sadd.s32 $0x80, s24;
	[tilespmem:s22+$0xFFFFFFA0] =	vst v6;
	v4 =	vmul.f32 v4, v0  }
0xff: {  	v6 =	vld [tilespmem:s25+$0xFFFFFFA0];
	p0 =	slt.u32 s24, $0xF80;
	[tilespmem:s22+$0xFFFFFFB0] =	vst v7;
	v2 =	vmul.f32 v2, v0  }
0x100: {  	v7 =	vld [tilespmem:s25+$0xFFFFFFB0];
	[tilespmem:s22+$0xFFFFFFC0] =	vst v4;
	v1 =	vmul.f32 v1, v0  }
.Ltmp9:
0x101: {  	v4 =	vld [tilespmem:s25+$0xFFFFFFC0];
	[tilespmem:s22+$0xFFFFFFD0] =	vst v2;
	v3 =	vmul.f32 v3, v0;
	(pc) =	sbr.rel @p0 .LBB2_20-.Ltmp9, $4  }
0x102: {  	v2 =	vld [tilespmem:s25+$0xFFFFFFD0];
	v5 =	vmul.f32 v5, v0;
	[tilespmem:s22+$0xFFFFFFE0] =	vst v1  }
0x103: {  	v1 =	vld [tilespmem:s25+$0xFFFFFFE0];
	v8 =	vmul.f32 v8, v0;
	[tilespmem:s22+$0xFFFFFFF0] =	vst v3  }
0x104: {  	v6 =	vmul.f32 v6, v0;
	v3 =	vld [tilespmem:s25+$0xFFFFFFF0];
	[tilespmem:s22+$0xFFFFFF90] =	vst v5;
	s22 =	smov.u32 s25  }
0x105: {  	s25 =	sadd.s32 $0x200, s25;
	v5 =	vld [tilespmem:s22+$0xFFFFFF90];
	v7 =	vmul.f32 v7, v0;
	[tilespmem:s22+$0x0] =	vst v8  }
0x106: {  	[tilespmem:s22+$0xFFFFFFA0] =	vst v6;
	v4 =	vmul.f32 v4, v0  }
0x107: {  	[tilespmem:s22+$0xFFFFFFB0] =	vst v7;
	v2 =	vmul.f32 v2, v0  }
0x108: {  	[tilespmem:s22+$0xFFFFFFC0] =	vst v4;
	v1 =	vmul.f32 v1, v0  }
0x109: {  	[tilespmem:s22+$0xFFFFFFD0] =	vst v2;
	v2 =	vmul.f32 v3, v0  }
0x10a: {  	v3 =	vmul.f32 v5, v0;
	[tilespmem:s22+$0xFFFFFFE0] =	vst v1  }
0x10b: {  	[tilespmem:s22+$0xFFFFFFF0] =	vst v2  }
0x10c: {  	[tilespmem:s22+$0xFFFFFF90] =	vst v3  }
0x10d: {  	v3 =	vld [tilespmem:s23+$0x0]  }
0x10e: {  	v5 =	vld [tilespmem:s23+$0xFFFFFFA0]  }
0x10f: {  	v7 =	vld [tilespmem:s23+$0xFFFFFFB0]  }
0x110: {  	v4 =	vld [tilespmem:s23+$0xFFFFFFC0]  }
0x111: {  	v2 =	vld [tilespmem:s23+$0xFFFFFFD0]  }
0x112: {  	v1 =	vld [tilespmem:s23+$0xFFFFFFE0];
	v8 =	vmul.f32 v3, v0  }
0x113: {  	v3 =	vld [tilespmem:s23+$0xFFFFFFF0];
	v6 =	vmul.f32 v5, v0  }
0x114: {  	s24 =	simm.s32 $0x0;
	s25 =	simm.s32 $0x8370;
	s22 =	simm.s32 $0x81F0;
	v5 =	vld [tilespmem:s23+$0xFFFFFF90];
	v7 =	vmul.f32 v7, v0;
	[tilespmem:s23+$0x0] =	vst v8  }
.LBB2_22:
0x115: {  	v8 =	vld [tilespmem:s25+$0x0];
	s24 =	sadd.s32 $0x80, s24;
	[tilespmem:s23+$0xFFFFFFA0] =	vst v6;
	v4 =	vmul.f32 v4, v0  }
0x116: {  	v6 =	vld [tilespmem:s25+$0xFFFFFFA0];
	p0 =	slt.u32 s24, $0xF80;
	[tilespmem:s23+$0xFFFFFFB0] =	vst v7;
	v2 =	vmul.f32 v2, v0  }
0x117: {  	v7 =	vld [tilespmem:s25+$0xFFFFFFB0];
	[tilespmem:s23+$0xFFFFFFC0] =	vst v4;
	v1 =	vmul.f32 v1, v0  }
.Ltmp10:
0x118: {  	v4 =	vld [tilespmem:s25+$0xFFFFFFC0];
	[tilespmem:s23+$0xFFFFFFD0] =	vst v2;
	v3 =	vmul.f32 v3, v0;
	(pc) =	sbr.rel @p0 .LBB2_22-.Ltmp10, $4  }
0x119: {  	v2 =	vld [tilespmem:s25+$0xFFFFFFD0];
	v5 =	vmul.f32 v5, v0;
	[tilespmem:s23+$0xFFFFFFE0] =	vst v1  }
0x11a: {  	v1 =	vld [tilespmem:s25+$0xFFFFFFE0];
	v8 =	vmul.f32 v8, v0;
	[tilespmem:s23+$0xFFFFFFF0] =	vst v3  }
0x11b: {  	v6 =	vmul.f32 v6, v0;
	v3 =	vld [tilespmem:s25+$0xFFFFFFF0];
	[tilespmem:s23+$0xFFFFFF90] =	vst v5;
	s23 =	smov.u32 s25  }
0x11c: {  	s25 =	sadd.s32 $0x200, s25;
	v5 =	vld [tilespmem:s23+$0xFFFFFF90];
	v7 =	vmul.f32 v7, v0;
	[tilespmem:s23+$0x0] =	vst v8  }
0x11d: {  	[tilespmem:s23+$0xFFFFFFA0] =	vst v6;
	v4 =	vmul.f32 v4, v0  }
0x11e: {  	[tilespmem:s23+$0xFFFFFFB0] =	vst v7;
	v2 =	vmul.f32 v2, v0  }
0x11f: {  	[tilespmem:s23+$0xFFFFFFC0] =	vst v4;
	v1 =	vmul.f32 v1, v0  }
0x120: {  	[tilespmem:s23+$0xFFFFFFD0] =	vst v2;
	v2 =	vmul.f32 v3, v0  }
0x121: {  	v3 =	vmul.f32 v5, v0;
	[tilespmem:s23+$0xFFFFFFE0] =	vst v1  }
0x122: {  	[tilespmem:s23+$0xFFFFFFF0] =	vst v2  }
0x123: {  	[tilespmem:s23+$0xFFFFFF90] =	vst v3  }
0x124: {  	v3 =	vld [tilespmem:s22+$0x0]  }
0x125: {  	v5 =	vld [tilespmem:s22+$0xFFFFFFA0]  }
0x126: {  	v7 =	vld [tilespmem:s22+$0xFFFFFFB0]  }
0x127: {  	v4 =	vld [tilespmem:s22+$0xFFFFFFC0]  }
0x128: {  	v2 =	vld [tilespmem:s22+$0xFFFFFFD0]  }
0x129: {  	v1 =	vld [tilespmem:s22+$0xFFFFFFE0];
	v8 =	vmul.f32 v3, v0  }
0x12a: {  	v3 =	vld [tilespmem:s22+$0xFFFFFFF0];
	v6 =	vmul.f32 v5, v0  }
0x12b: {  	s24 =	simm.s32 $0x83F0;
	s23 =	simm.s32 $0x0;
	v5 =	vld [tilespmem:s22+$0xFFFFFF90];
	v7 =	vmul.f32 v7, v0;
	[tilespmem:s22+$0x0] =	vst v8  }
.LBB2_24:
0x12c: {  	v8 =	vld [tilespmem:s24+$0x0];
	s23 =	sadd.s32 $0x80, s23;
	[tilespmem:s22+$0xFFFFFFA0] =	vst v6;
	v4 =	vmul.f32 v4, v0  }
0x12d: {  	v6 =	vld [tilespmem:s24+$0xFFFFFFA0];
	p0 =	slt.u32 s23, $0xF80;
	[tilespmem:s22+$0xFFFFFFB0] =	vst v7;
	v2 =	vmul.f32 v2, v0  }
0x12e: {  	v7 =	vld [tilespmem:s24+$0xFFFFFFB0];
	[tilespmem:s22+$0xFFFFFFC0] =	vst v4;
	v1 =	vmul.f32 v1, v0  }
.Ltmp11:
0x12f: {  	v4 =	vld [tilespmem:s24+$0xFFFFFFC0];
	[tilespmem:s22+$0xFFFFFFD0] =	vst v2;
	v3 =	vmul.f32 v3, v0;
	(pc) =	sbr.rel @p0 .LBB2_24-.Ltmp11, $4  }
0x130: {  	v2 =	vld [tilespmem:s24+$0xFFFFFFD0];
	v5 =	vmul.f32 v5, v0;
	[tilespmem:s22+$0xFFFFFFE0] =	vst v1  }
0x131: {  	v1 =	vld [tilespmem:s24+$0xFFFFFFE0];
	v8 =	vmul.f32 v8, v0;
	[tilespmem:s22+$0xFFFFFFF0] =	vst v3  }
0x132: {  	v6 =	vmul.f32 v6, v0;
	v3 =	vld [tilespmem:s24+$0xFFFFFFF0];
	[tilespmem:s22+$0xFFFFFF90] =	vst v5;
	s22 =	smov.u32 s24  }
0x133: {  	s24 =	sadd.s32 $0x200, s24;
	v5 =	vld [tilespmem:s22+$0xFFFFFF90];
	v7 =	vmul.f32 v7, v0;
	[tilespmem:s22+$0x0] =	vst v8  }
0x134: {  	[tilespmem:s22+$0xFFFFFFA0] =	vst v6;
	v4 =	vmul.f32 v4, v0  }
0x135: {  	[tilespmem:s22+$0xFFFFFFB0] =	vst v7;
	v2 =	vmul.f32 v2, v0  }
0x136: {  	[tilespmem:s22+$0xFFFFFFC0] =	vst v4;
	v1 =	vmul.f32 v1, v0  }
0x137: {  	[tilespmem:s22+$0xFFFFFFD0] =	vst v2;
	v2 =	vmul.f32 v3, v0  }
0x138: {  	v3 =	vmul.f32 v5, v0;
	[tilespmem:s22+$0xFFFFFFE0] =	vst v1  }
0x139: {  	[tilespmem:s22+$0xFFFFFFF0] =	vst v2  }
0x13a: {  	[tilespmem:s22+$0xFFFFFF90] =	vst v3  }
0x13b: {  	[hbm4b:s10+s15] =	stream.strided.scatter [tilespmem:s18], [sflag:$0x2], $0x4000, s16, s15, $0x38;
	[tilespmem:$0xC080] =	vst v63  }
0x13c: {  	_ =	swait.ge [sflag:s19], $0x4000  }
0x13d: {  	[sflag:s19] =	ssyncset.done $0x0  }
0x13e: {  	s23 =	simm.s32 $0x40;
	[sflag:s19] =	ssyncadd.s32 $0xFFFFC000  }
0x13f: {  	v3 =	vld [tilespmem:s23+$0x30]  }
0x140: {  	v5 =	vld [tilespmem:s23+$0xFFFFFFD0]  }
0x141: {  	v7 =	vld [tilespmem:s23+$0xFFFFFFE0]  }
0x142: {  	v4 =	vld [tilespmem:s23+$0xFFFFFFF0]  }
0x143: {  	v2 =	vld [tilespmem:s23+$0x0]  }
0x144: {  	v1 =	vld [tilespmem:s23+$0x10];
	v8 =	vmul.f32 v3, v0  }
0x145: {  	v3 =	vld [tilespmem:s23+$0x20];
	v6 =	vmul.f32 v5, v0  }
0x146: {  	s24 =	simm.s32 $0x0;
	s25 =	simm.s32 $0x240;
	v5 =	vld [tilespmem:s23+$0xFFFFFFC0];
	v7 =	vmul.f32 v7, v0;
	[tilespmem:s23+$0x30] =	vst v8  }
.LBB2_26:
0x147: {  	v8 =	vld [tilespmem:s25+$0x30];
	s24 =	sadd.s32 $0x80, s24;
	[tilespmem:s23+$0xFFFFFFD0] =	vst v6;
	v4 =	vmul.f32 v4, v0  }
0x148: {  	v6 =	vld [tilespmem:s25+$0xFFFFFFD0];
	p0 =	slt.u32 s24, $0xF80;
	[tilespmem:s23+$0xFFFFFFE0] =	vst v7;
	v2 =	vmul.f32 v2, v0  }
0x149: {  	v7 =	vld [tilespmem:s25+$0xFFFFFFE0];
	[tilespmem:s23+$0xFFFFFFF0] =	vst v4;
	v1 =	vmul.f32 v1, v0  }
.Ltmp12:
0x14a: {  	v4 =	vld [tilespmem:s25+$0xFFFFFFF0];
	[tilespmem:s23+$0x0] =	vst v2;
	v3 =	vmul.f32 v3, v0;
	(pc) =	sbr.rel @p0 .LBB2_26-.Ltmp12, $4  }
0x14b: {  	v2 =	vld [tilespmem:s25+$0x0];
	v5 =	vmul.f32 v5, v0;
	[tilespmem:s23+$0x10] =	vst v1  }
0x14c: {  	v1 =	vld [tilespmem:s25+$0x10];
	v8 =	vmul.f32 v8, v0;
	[tilespmem:s23+$0x20] =	vst v3  }
0x14d: {  	v6 =	vmul.f32 v6, v0;
	v3 =	vld [tilespmem:s25+$0x20];
	[tilespmem:s23+$0xFFFFFFC0] =	vst v5;
	s23 =	smov.u32 s25  }
0x14e: {  	s22 =	simm.s32 $0xF0;
	s25 =	sadd.s32 $0x200, s25;
	v5 =	vld [tilespmem:s23+$0xFFFFFFC0];
	v7 =	vmul.f32 v7, v0;
	[tilespmem:s23+$0x30] =	vst v8  }
0x14f: {  	[tilespmem:s23+$0xFFFFFFD0] =	vst v6;
	v4 =	vmul.f32 v4, v0  }
0x150: {  	[tilespmem:s23+$0xFFFFFFE0] =	vst v7;
	v2 =	vmul.f32 v2, v0  }
0x151: {  	[tilespmem:s23+$0xFFFFFFF0] =	vst v4;
	v1 =	vmul.f32 v1, v0  }
0x152: {  	[tilespmem:s23+$0x0] =	vst v2;
	v2 =	vmul.f32 v3, v0  }
0x153: {  	v3 =	vmul.f32 v5, v0;
	[tilespmem:s23+$0x10] =	vst v1  }
0x154: {  	[tilespmem:s23+$0x20] =	vst v2  }
0x155: {  	[tilespmem:s23+$0xFFFFFFC0] =	vst v3  }
0x156: {  	v3 =	vld [tilespmem:s22+$0x0]  }
0x157: {  	v5 =	vld [tilespmem:s22+$0xFFFFFFA0]  }
0x158: {  	v7 =	vld [tilespmem:s22+$0xFFFFFFB0]  }
0x159: {  	v4 =	vld [tilespmem:s22+$0xFFFFFFC0]  }
0x15a: {  	v2 =	vld [tilespmem:s22+$0xFFFFFFD0]  }
0x15b: {  	v1 =	vld [tilespmem:s22+$0xFFFFFFE0];
	v8 =	vmul.f32 v3, v0  }
0x15c: {  	v3 =	vld [tilespmem:s22+$0xFFFFFFF0];
	v6 =	vmul.f32 v5, v0  }
0x15d: {  	s24 =	simm.s32 $0x0;
	s25 =	simm.s32 $0x2F0;
	v5 =	vld [tilespmem:s22+$0xFFFFFF90];
	v7 =	vmul.f32 v7, v0;
	[tilespmem:s22+$0x0] =	vst v8  }
.LBB2_28:
0x15e: {  	v8 =	vld [tilespmem:s25+$0x0];
	s24 =	sadd.s32 $0x80, s24;
	[tilespmem:s22+$0xFFFFFFA0] =	vst v6;
	v4 =	vmul.f32 v4, v0  }
0x15f: {  	v6 =	vld [tilespmem:s25+$0xFFFFFFA0];
	p0 =	slt.u32 s24, $0xF80;
	[tilespmem:s22+$0xFFFFFFB0] =	vst v7;
	v2 =	vmul.f32 v2, v0  }
0x160: {  	v7 =	vld [tilespmem:s25+$0xFFFFFFB0];
	[tilespmem:s22+$0xFFFFFFC0] =	vst v4;
	v1 =	vmul.f32 v1, v0  }
.Ltmp13:
0x161: {  	v4 =	vld [tilespmem:s25+$0xFFFFFFC0];
	[tilespmem:s22+$0xFFFFFFD0] =	vst v2;
	v3 =	vmul.f32 v3, v0;
	(pc) =	sbr.rel @p0 .LBB2_28-.Ltmp13, $4  }
0x162: {  	v2 =	vld [tilespmem:s25+$0xFFFFFFD0];
	v5 =	vmul.f32 v5, v0;
	[tilespmem:s22+$0xFFFFFFE0] =	vst v1  }
0x163: {  	v1 =	vld [tilespmem:s25+$0xFFFFFFE0];
	v8 =	vmul.f32 v8, v0;
	[tilespmem:s22+$0xFFFFFFF0] =	vst v3  }
0x164: {  	v6 =	vmul.f32 v6, v0;
	v3 =	vld [tilespmem:s25+$0xFFFFFFF0];
	[tilespmem:s22+$0xFFFFFF90] =	vst v5;
	s22 =	smov.u32 s25  }
0x165: {  	s23 =	simm.s32 $0x170;
	s25 =	sadd.s32 $0x200, s25;
	v5 =	vld [tilespmem:s22+$0xFFFFFF90];
	v7 =	vmul.f32 v7, v0;
	[tilespmem:s22+$0x0] =	vst v8  }
0x166: {  	[tilespmem:s22+$0xFFFFFFA0] =	vst v6;
	v4 =	vmul.f32 v4, v0  }
0x167: {  	[tilespmem:s22+$0xFFFFFFB0] =	vst v7;
	v2 =	vmul.f32 v2, v0  }
0x168: {  	[tilespmem:s22+$0xFFFFFFC0] =	vst v4;
	v1 =	vmul.f32 v1, v0  }
0x169: {  	[tilespmem:s22+$0xFFFFFFD0] =	vst v2;
	v2 =	vmul.f32 v3, v0  }
0x16a: {  	v3 =	vmul.f32 v5, v0;
	[tilespmem:s22+$0xFFFFFFE0] =	vst v1  }
0x16b: {  	[tilespmem:s22+$0xFFFFFFF0] =	vst v2  }
0x16c: {  	[tilespmem:s22+$0xFFFFFF90] =	vst v3  }
0x16d: {  	v3 =	vld [tilespmem:s23+$0x0]  }
0x16e: {  	v5 =	vld [tilespmem:s23+$0xFFFFFFA0]  }
0x16f: {  	v7 =	vld [tilespmem:s23+$0xFFFFFFB0]  }
0x170: {  	v4 =	vld [tilespmem:s23+$0xFFFFFFC0]  }
0x171: {  	v2 =	vld [tilespmem:s23+$0xFFFFFFD0]  }
0x172: {  	v1 =	vld [tilespmem:s23+$0xFFFFFFE0];
	v8 =	vmul.f32 v3, v0  }
0x173: {  	v3 =	vld [tilespmem:s23+$0xFFFFFFF0];
	v6 =	vmul.f32 v5, v0  }
0x174: {  	s24 =	simm.s32 $0x0;
	s25 =	simm.s32 $0x370;
	v5 =	vld [tilespmem:s23+$0xFFFFFF90];
	v7 =	vmul.f32 v7, v0;
	[tilespmem:s23+$0x0] =	vst v8  }
.LBB2_30:
0x175: {  	v8 =	vld [tilespmem:s25+$0x0];
	s24 =	sadd.s32 $0x80, s24;
	[tilespmem:s23+$0xFFFFFFA0] =	vst v6;
	v4 =	vmul.f32 v4, v0  }
0x176: {  	v6 =	vld [tilespmem:s25+$0xFFFFFFA0];
	p0 =	slt.u32 s24, $0xF80;
	[tilespmem:s23+$0xFFFFFFB0] =	vst v7;
	v2 =	vmul.f32 v2, v0  }
0x177: {  	v7 =	vld [tilespmem:s25+$0xFFFFFFB0];
	[tilespmem:s23+$0xFFFFFFC0] =	vst v4;
	v1 =	vmul.f32 v1, v0  }
.Ltmp14:
0x178: {  	v4 =	vld [tilespmem:s25+$0xFFFFFFC0];
	[tilespmem:s23+$0xFFFFFFD0] =	vst v2;
	v3 =	vmul.f32 v3, v0;
	(pc) =	sbr.rel @p0 .LBB2_30-.Ltmp14, $4  }
0x179: {  	v2 =	vld [tilespmem:s25+$0xFFFFFFD0];
	v5 =	vmul.f32 v5, v0;
	[tilespmem:s23+$0xFFFFFFE0] =	vst v1  }
0x17a: {  	v1 =	vld [tilespmem:s25+$0xFFFFFFE0];
	v8 =	vmul.f32 v8, v0;
	[tilespmem:s23+$0xFFFFFFF0] =	vst v3  }
0x17b: {  	v6 =	vmul.f32 v6, v0;
	v3 =	vld [tilespmem:s25+$0xFFFFFFF0];
	[tilespmem:s23+$0xFFFFFF90] =	vst v5;
	s23 =	smov.u32 s25  }
0x17c: {  	s22 =	simm.s32 $0x1F0;
	s25 =	sadd.s32 $0x200, s25;
	v5 =	vld [tilespmem:s23+$0xFFFFFF90];
	v7 =	vmul.f32 v7, v0;
	[tilespmem:s23+$0x0] =	vst v8  }
0x17d: {  	[tilespmem:s23+$0xFFFFFFA0] =	vst v6;
	v4 =	vmul.f32 v4, v0  }
0x17e: {  	[tilespmem:s23+$0xFFFFFFB0] =	vst v7;
	v2 =	vmul.f32 v2, v0  }
0x17f: {  	[tilespmem:s23+$0xFFFFFFC0] =	vst v4;
	v1 =	vmul.f32 v1, v0  }
0x180: {  	[tilespmem:s23+$0xFFFFFFD0] =	vst v2;
	v2 =	vmul.f32 v3, v0  }
0x181: {  	v3 =	vmul.f32 v5, v0;
	[tilespmem:s23+$0xFFFFFFE0] =	vst v1  }
0x182: {  	[tilespmem:s23+$0xFFFFFFF0] =	vst v2  }
0x183: {  	[tilespmem:s23+$0xFFFFFF90] =	vst v3  }
0x184: {  	v3 =	vld [tilespmem:s22+$0x0]  }
0x185: {  	v5 =	vld [tilespmem:s22+$0xFFFFFFA0]  }
0x186: {  	v7 =	vld [tilespmem:s22+$0xFFFFFFB0]  }
0x187: {  	v4 =	vld [tilespmem:s22+$0xFFFFFFC0]  }
0x188: {  	v2 =	vld [tilespmem:s22+$0xFFFFFFD0]  }
0x189: {  	v1 =	vld [tilespmem:s22+$0xFFFFFFE0];
	v8 =	vmul.f32 v3, v0  }
0x18a: {  	v3 =	vld [tilespmem:s22+$0xFFFFFFF0];
	v6 =	vmul.f32 v5, v0  }
0x18b: {  	s24 =	simm.s32 $0x3F0;
	s23 =	simm.s32 $0x0;
	v5 =	vld [tilespmem:s22+$0xFFFFFF90];
	v7 =	vmul.f32 v7, v0;
	[tilespmem:s22+$0x0] =	vst v8  }
.LBB2_32:
0x18c: {  	v8 =	vld [tilespmem:s24+$0x0];
	s23 =	sadd.s32 $0x80, s23;
	[tilespmem:s22+$0xFFFFFFA0] =	vst v6;
	v4 =	vmul.f32 v4, v0  }
0x18d: {  	v6 =	vld [tilespmem:s24+$0xFFFFFFA0];
	p0 =	slt.u32 s23, $0xF80;
	[tilespmem:s22+$0xFFFFFFB0] =	vst v7;
	v2 =	vmul.f32 v2, v0  }
0x18e: {  	v7 =	vld [tilespmem:s24+$0xFFFFFFB0];
	[tilespmem:s22+$0xFFFFFFC0] =	vst v4;
	v1 =	vmul.f32 v1, v0  }
.Ltmp15:
0x18f: {  	v4 =	vld [tilespmem:s24+$0xFFFFFFC0];
	[tilespmem:s22+$0xFFFFFFD0] =	vst v2;
	v3 =	vmul.f32 v3, v0;
	(pc) =	sbr.rel @p0 .LBB2_32-.Ltmp15, $4  }
0x190: {  	v2 =	vld [tilespmem:s24+$0xFFFFFFD0];
	v5 =	vmul.f32 v5, v0;
	[tilespmem:s22+$0xFFFFFFE0] =	vst v1  }
0x191: {  	v1 =	vld [tilespmem:s24+$0xFFFFFFE0];
	v8 =	vmul.f32 v8, v0;
	[tilespmem:s22+$0xFFFFFFF0] =	vst v3  }
0x192: {  	v6 =	vmul.f32 v6, v0;
	v3 =	vld [tilespmem:s24+$0xFFFFFFF0];
	[tilespmem:s22+$0xFFFFFF90] =	vst v5;
	s22 =	smov.u32 s24  }
0x193: {  	s24 =	sadd.s32 $0x200, s24;
	v5 =	vld [tilespmem:s22+$0xFFFFFF90];
	v7 =	vmul.f32 v7, v0;
	[tilespmem:s22+$0x0] =	vst v8  }
0x194: {  	[tilespmem:s22+$0xFFFFFFA0] =	vst v6;
	v4 =	vmul.f32 v4, v0  }
0x195: {  	[tilespmem:s22+$0xFFFFFFB0] =	vst v7;
	v2 =	vmul.f32 v2, v0  }
0x196: {  	[tilespmem:s22+$0xFFFFFFC0] =	vst v4;
	v1 =	vmul.f32 v1, v0  }
0x197: {  	[tilespmem:s22+$0xFFFFFFD0] =	vst v2;
	v62 =	vmul.f32 v3, v0  }
0x198: {  	v63 =	vmul.f32 v5, v0;
	[tilespmem:s22+$0xFFFFFFE0] =	vst v1  }
0x199: {  	[tilespmem:s22+$0xFFFFFFF0] =	vst v62  }
0x19a: {  	[tilespmem:s22+$0xFFFFFF90] =	vst v63  }
0x19b: {  	[hbm4b:s11+s15] =	stream.strided.scatter [tilespmem:s1], [sflag:$0x2], $0x4000, s16, s15, $0x38;
	[tilespmem:$0xC080] =	vst v63  }
0x19c: {  	_ =	swait.ge [sflag:s20], $0x4000  }
0x19d: {  	[sflag:s20] =	ssyncset.done $0x0  }
0x19e: {  	s21 =	sadd.s32 $0x1, s21;
	[sflag:s20] =	ssyncadd.s32 $0xFFFFC000  }
0x19f: {  	p0 =	sne.s32 s21, s12;
	_ =	swait.ge [sflag:s20], $0x4000  }
.Ltmp16:
0x1a0: {  	[sflag:s20] =	ssyncset.done $0x0;
	(pc) =	sbr.rel @p0 .LBB2_1-.Ltmp16, $4  }
0x1a1: {  	[sflag:s20] =	ssyncadd.s32 $0xFFFFC000  }
0x1a2: {  	_ =	swait.ge [sflag:s20], $0x4000  }
0x1a3: {  	[sflag:s20] =	ssyncset.done $0x0  }
0x1a4: {  	[sflag:s20] =	ssyncadd.s32 $0xFFFFC000  }
0x1a5: {  	_ =	sfence.sel $0x180000  }
0x1a6: {  	[bflag:$0x0] =	sbarrier.arrive $0xFFFF  }
0x1a7: {  	p0 =	sne.s32 s2, $0x0;
	_ =	strace $0x90000047  }
0x1a8: {  	s0 =	sadd.s32 @!p0 $0x100000, s0;
	[bflag:$0x2] =	sbarrier.arrive $0xFFFF  }
0x1a9: {  	[sflag:s0] =	ssyncadd.tile.s32 @!p0 $0x1;
	_ =	shalt  }
.Lfunc_end2:
_tile_overlayer_lowered:
.L_overlay_start_2:
0x1aa: {  	(tag) =	ssettag $0x2  }
0x1ab: {  	s0 =	rddreg [dreg:$0x0];
	s2 =	stileid.u32  }
0x1ac: {  	s1 =	rddreg [dreg:$0x1];
	p0 =	sne.s32 s2, $0x0  }
0x1ad: {  	s3 =	rddreg [dreg:$0x2];
	[bflag:$0x3] =	sbarrier.arrive $0xFFFF;
	s2 =	simm.s32 @!p0 $0x1C03  }
0x1ae: {  	[timem:s3], [sflag:s2] =	dma.local @!p0 [hbm:s0], s1  }
0x1af: {  	s0 =	simm.s32 @!p0 $0x3  }
0x1b0: {  	_ =	swait.ge @!p0 [sflag:s0], s1  }
0x1b1: {  	s1 =	ssub.s32 @!p0 $0x0, s1;
	[sflag:s0] =	ssyncset.done @!p0 $0x0  }
0x1b2: {  	[sflag:s0] =	ssyncadd.s32 @!p0 s1  }
0x1b3: {  	[bflag:$0x3] =	sbarrier.arrive $0xFFFF  }
0x1b4: {  	_ =	shalt  }

</sc_bundles>
